<compile_context>
chip_gen: v7x
topology: tpu7x:2x2x1
jax: 0.10.2.dev20260603
libtpu: 0.0.44.dev20260713+nightly
codegen_flags: <defaults>
</compile_context>

<pallas_src>
import functools

import jax
import jax.numpy as jnp
from jax import lax
from jax.experimental import pallas as pl
from jax.experimental.pallas import tpu as pltpu
from jax.experimental.pallas import tpu_sc as plsc

N_NODES_ = 10000
D_ = 128
N_POOL_ = 5000
N_EDGES_ = 320000
NB_ = N_EDGES_ // 128

PP_ = 160
PB_ = N_POOL_ - PP_
CR_ = 320
CB_ = N_NODES_ - CR_
CH_ = CR_ // 2


def _unpool_body(feat_hbm, pool0_hbm, pool1_hbm,
                 outf_hbm,
                 idx0_v, idx1_v, rows0_v, rows1_v, cb0_v, cb1_v,
                 gsems, fsems, isems, nsem):
    wid = lax.axis_index("s") * 2 + lax.axis_index("c")

    base_p = jnp.minimum(wid * PP_, PB_)
    base_c = jnp.minimum(wid * CR_, CB_)

    icopy0 = pltpu.async_copy(pool0_hbm.at[pl.ds(base_p, PP_)], idx0_v, isems[0])
    icopy1 = pltpu.async_copy(pool1_hbm.at[pl.ds(base_p, PP_)], idx1_v, isems[1])
    fin0 = pltpu.async_copy(feat_hbm.at[pl.ds(base_c, CH_)], cb0_v, fsems[0])
    fin1 = pltpu.async_copy(feat_hbm.at[pl.ds(base_c + CH_, CH_)], cb1_v, fsems[1])
    icopy0.wait()
    icopy1.wait()
    gcopy0 = pltpu.async_copy(feat_hbm.at[idx0_v], rows0_v, gsems[0])
    gcopy1 = pltpu.async_copy(feat_hbm.at[idx1_v], rows1_v, gsems[1])

    fin0.wait()
    fout0 = pltpu.async_copy(cb0_v, outf_hbm.at[pl.ds(base_c, CH_)], fsems[0])
    fin1.wait()
    fout1 = pltpu.async_copy(cb1_v, outf_hbm.at[pl.ds(base_c + CH_, CH_)], fsems[1])

    def avg_row(j, carry):
        for d in range(D_ // 16):
            a = rows0_v[j, pl.ds(16 * d, 16)]
            b = rows1_v[j, pl.ds(16 * d, 16)]
            rows0_v[j, pl.ds(16 * d, 16)] = 0.5 * (a + b)
        return carry

    gcopy0.wait()
    gcopy1.wait()
    lax.fori_loop(0, PP_, avg_row, 0, unroll=2)
    ncopy = pltpu.async_copy(rows0_v, outf_hbm.at[pl.ds(N_NODES_ + base_p, PP_)],
                             nsem)

    fout0.wait()
    fout1.wait()
    ncopy.wait()


_unpool_sc = functools.partial(
    pl.kernel,
    out_type=jax.ShapeDtypeStruct((N_NODES_ + N_POOL_, D_), jnp.float32),
    mesh=plsc.VectorSubcoreMesh(core_axis_name="c", subcore_axis_name="s"),
    compiler_params=pltpu.CompilerParams(
        needs_layout_passes=False, use_tc_tiling_on_sc=False),
    scratch_types=[
        pltpu.VMEM((PP_,), jnp.int32),
        pltpu.VMEM((PP_,), jnp.int32),
        pltpu.VMEM((PP_, D_), jnp.float32),
        pltpu.VMEM((PP_, D_), jnp.float32),
        pltpu.VMEM((CH_, D_), jnp.float32),
        pltpu.VMEM((CH_, D_), jnp.float32),
        [pltpu.SemaphoreType.DMA for _ in range(2)],
        [pltpu.SemaphoreType.DMA for _ in range(2)],
        [pltpu.SemaphoreType.DMA for _ in range(2)],
        pltpu.SemaphoreType.DMA,
    ],
)(_unpool_body)


EB_ = 64


def _edge_body(e_ref, src_ref, dst_ref):
    x = e_ref[...]
    c0 = jnp.stack([x[:, k, :] for k in (0, 2, 4, 6)], axis=1).reshape(4 * EB_, 128)
    c1 = jnp.stack([x[:, k, :] for k in (1, 3, 5, 7)], axis=1).reshape(4 * EB_, 128)
    src_ref[0] = c0
    src_ref[1] = c1
    dst_ref[0] = c1
    dst_ref[1] = c0


_edge_tc = pl.pallas_call(
    _edge_body,
    grid=((NB_ // 4 + EB_ - 1) // EB_,),
    in_specs=[pl.BlockSpec((EB_, 8, 128), lambda i: (i, 0, 0))],
    out_specs=[
        pl.BlockSpec((2, 4 * EB_, 128), lambda i: (0, i, 0)),
        pl.BlockSpec((2, 4 * EB_, 128), lambda i: (0, i, 0)),
    ],
    out_shape=[
        jax.ShapeDtypeStruct((2, NB_, 128), jnp.int32),
        jax.ShapeDtypeStruct((2, NB_, 128), jnp.int32),
    ],
)


@jax.jit
def kernel(feat, pool_idx_, edge_idx_):
    pool_i32 = pool_idx_.astype(jnp.int32)
    edge_i32 = edge_idx_.astype(jnp.int32)
    pool0 = pool_i32[:, 0]
    pool1 = pool_i32[:, 1]
    edge8 = (edge_i32.reshape(NB_ // 4, 4, 128, 2)
             .transpose(0, 1, 3, 2).reshape(NB_ // 4, 8, 128))
    feat_out = _unpool_sc(feat, pool0, pool1)
    src2d, dst2d = _edge_tc(edge8)
    return feat_out, src2d.reshape(2 * N_EDGES_), dst2d.reshape(2 * N_EDGES_)

# --- scband reference (transcript-rebuilt; emitter-appended) ---
"""Pipeline reference for scband-un-pool-49624052138548 (READ-ONLY COPY).

The authoritative reference and input builder live on the scoring server;
editing this copy changes nothing except your own understanding.
"""

import jax, jax.numpy as jnp
import numpy as np

N_NODES = 10000
D_FEAT = 128
N_POOL = 5000
N_EDGES = 320000
N_TOTAL = N_NODES + N_POOL


def setup_inputs(seed: int = 0) -> dict:
    key = jax.random.key(seed)
    k_feat, k_pool, k_edge = jax.random.split(key, 3)
    feat = jax.random.normal(k_feat, (N_NODES, D_FEAT), dtype=jnp.float32)
    pool_idx_ = jax.random.randint(k_pool, (N_POOL, 2), 0, N_NODES, dtype=jnp.int64)
    edge_idx_ = jax.random.randint(k_edge, (1, N_EDGES, 2), 0, N_TOTAL, dtype=jnp.int64)
    return {"feat": feat, "pool_idx_": pool_idx_, "edge_idx_": edge_idx_}


def reference(feat, pool_idx_, edge_idx_):
    # self.idx = 0: select the 0-th edge list
    edge_idx = edge_idx_[0]
    pool_idx = pool_idx_
    # new_vs = 0.5 * sum over the pair dimension of gathered features
    gathered = jnp.take(feat, pool_idx, axis=0)          # [P, 2, d]
    new_vs = 0.5 * jnp.sum(gathered, axis=1)             # [P, d]
    # append unpooled node features
    feat_out = jnp.concatenate((feat, new_vs), axis=0)   # [N+P, d]
    # graph edge rebuild: add edges (src,dst) and (dst,src)
    src = edge_idx[:, 0]
    dst = edge_idx[:, 1]
    src_all = jnp.concatenate((src, dst), axis=0)
    dst_all = jnp.concatenate((dst, src), axis=0)
    # return updated node features (graph.ndata['feat']) plus new edge lists
    return feat_out, src_all, dst_all

if __name__ == "__main__":
    import jax
    _d = setup_inputs()
    print(jax.jit(kernel)(*tuple(_d.values())))

</pallas_src>

<mosaic_0001>
#map = affine_map<(d0, d1) -> (0, 0)>
#map1 = affine_map<(d0, d1) -> (0)>
module attributes {stable_mosaic.version = 14 : i64} {
  func.func @_unpool_body(%arg0: i32, %arg1: i32, %arg2: memref<10000x128xf32, #tpu.memory_space<hbm>>, %arg3: memref<5000xi32, #tpu.memory_space<hbm>>, %arg4: memref<5000xi32, #tpu.memory_space<hbm>>, %arg5: memref<15000x128xf32, #tpu.memory_space<hbm>>, %arg6: memref<160xi32, #tpu.memory_space<vmem>>, %arg7: memref<160xi32, #tpu.memory_space<vmem>>, %arg8: memref<160x128xf32, #tpu.memory_space<vmem>>, %arg9: memref<160x128xf32, #tpu.memory_space<vmem>>, %arg10: memref<160x128xf32, #tpu.memory_space<vmem>>, %arg11: memref<160x128xf32, #tpu.memory_space<vmem>>, %arg12: memref<!tpu.dma_semaphore, #tpu.memory_space<semaphore_mem>>, %arg13: memref<!tpu.dma_semaphore, #tpu.memory_space<semaphore_mem>>, %arg14: memref<!tpu.dma_semaphore, #tpu.memory_space<semaphore_mem>>, %arg15: memref<!tpu.dma_semaphore, #tpu.memory_space<semaphore_mem>>, %arg16: memref<!tpu.dma_semaphore, #tpu.memory_space<semaphore_mem>>, %arg17: memref<!tpu.dma_semaphore, #tpu.memory_space<semaphore_mem>>, %arg18: memref<!tpu.dma_semaphore, #tpu.memory_space<semaphore_mem>>) attributes {dimension_semantics = [#tpu.dimension_semantics<core_parallel>, #tpu.dimension_semantics<subcore_parallel>], iteration_bounds = array<i64: 2, 16>, scalar_prefetch = 0 : i64, scratch_operands = 13 : i64, tpu.core_type = #tpu.core_type<sc_vector_subcore>, window_params = [{transform_indices = #map}, {transform_indices = #map1}, {transform_indices = #map1}, {transform_indices = #map}]} {
    %mul3A = arith.constant 2 : i32
    %mul3A_0 = arith.muli %arg1, %mul3A : i32
    %add3A = arith.addi %mul3A_0, %arg0 : i32
    %mul3A_1 = arith.constant 160 : i32
    %mul3A_2 = arith.muli %add3A, %mul3A_1 : i32
    %min3A = arith.constant 4840 : i32
    %min3A_3 = arith.minsi %mul3A_2, %min3A : i32
    %mul3A_4 = arith.constant 320 : i32
    %mul3A_5 = arith.muli %add3A, %mul3A_4 : i32
    %min3A_6 = arith.constant 9680 : i32
    %min3A_7 = arith.minsi %mul3A_5, %min3A_6 : i32
    %dma_start3A = tpu.memref_slice %arg3[%min3A_3] : memref<5000xi32, #tpu.memory_space<hbm>> -> memref<160xi32, #tpu.memory_space<hbm>>
    %dma_start3A_8 = tpu.memref_slice %arg3[%min3A_3] : memref<5000xi32, #tpu.memory_space<hbm>> -> memref<160xi32, #tpu.memory_space<hbm>>
    tpu.enqueue_dma source(%dma_start3A_8 : memref<160xi32, #tpu.memory_space<hbm>>) target(%arg6 : memref<160xi32, #tpu.memory_space<vmem>>) target_semaphore(%arg16 : memref<!tpu.dma_semaphore, #tpu.memory_space<semaphore_mem>>)
    %dma_start3A_9 = tpu.memref_slice %arg4[%min3A_3] : memref<5000xi32, #tpu.memory_space<hbm>> -> memref<160xi32, #tpu.memory_space<hbm>>
    %dma_start3A_10 = tpu.memref_slice %arg4[%min3A_3] : memref<5000xi32, #tpu.memory_space<hbm>> -> memref<160xi32, #tpu.memory_space<hbm>>
    tpu.enqueue_dma source(%dma_start3A_10 : memref<160xi32, #tpu.memory_space<hbm>>) target(%arg7 : memref<160xi32, #tpu.memory_space<vmem>>) target_semaphore(%arg17 : memref<!tpu.dma_semaphore, #tpu.memory_space<semaphore_mem>>)
    %dma_start3A_11 = arith.constant 0 : i32
    %dma_start3A_12 = tpu.memref_slice %arg2[%min3A_7, %dma_start3A_11] : memref<10000x128xf32, #tpu.memory_space<hbm>> -> memref<160x128xf32, #tpu.memory_space<hbm>>
    %dma_start3A_13 = arith.constant 0 : i32
    %dma_start3A_14 = tpu.memref_slice %arg2[%min3A_7, %dma_start3A_13] : memref<10000x128xf32, #tpu.memory_space<hbm>> -> memref<160x128xf32, #tpu.memory_space<hbm>>
    tpu.enqueue_dma source(%dma_start3A_14 : memref<160x128xf32, #tpu.memory_space<hbm>>) target(%arg10 : memref<160x128xf32, #tpu.memory_space<vmem>>) target_semaphore(%arg14 : memref<!tpu.dma_semaphore, #tpu.memory_space<semaphore_mem>>)
    %add3A_15 = arith.constant 160 : i32
    %add3A_16 = arith.addi %min3A_7, %add3A_15 : i32
    %dma_start3A_17 = arith.constant 0 : i32
    %dma_start3A_18 = tpu.memref_slice %arg2[%add3A_16, %dma_start3A_17] : memref<10000x128xf32, #tpu.memory_space<hbm>> -> memref<160x128xf32, #tpu.memory_space<hbm>>
    %dma_start3A_19 = arith.constant 0 : i32
    %dma_start3A_20 = tpu.memref_slice %arg2[%add3A_16, %dma_start3A_19] : memref<10000x128xf32, #tpu.memory_space<hbm>> -> memref<160x128xf32, #tpu.memory_space<hbm>>
    tpu.enqueue_dma source(%dma_start3A_20 : memref<160x128xf32, #tpu.memory_space<hbm>>) target(%arg11 : memref<160x128xf32, #tpu.memory_space<vmem>>) target_semaphore(%arg15 : memref<!tpu.dma_semaphore, #tpu.memory_space<semaphore_mem>>)
    %dma_wait3A = tpu.memref_slice %arg3[%min3A_3] : memref<5000xi32, #tpu.memory_space<hbm>> -> memref<160xi32, #tpu.memory_space<hbm>>
    %dma_wait3A_21 = tpu.memref_slice %arg3[%min3A_3] : memref<5000xi32, #tpu.memory_space<hbm>> -> memref<160xi32, #tpu.memory_space<hbm>>
    tpu.wait_dma2 semaphore(%arg16 : memref<!tpu.dma_semaphore, #tpu.memory_space<semaphore_mem>>) src(%dma_wait3A_21 : memref<160xi32, #tpu.memory_space<hbm>>) dst(%arg6 : memref<160xi32, #tpu.memory_space<vmem>>)
    %dma_wait3A_22 = tpu.memref_slice %arg4[%min3A_3] : memref<5000xi32, #tpu.memory_space<hbm>> -> memref<160xi32, #tpu.memory_space<hbm>>
    %dma_wait3A_23 = tpu.memref_slice %arg4[%min3A_3] : memref<5000xi32, #tpu.memory_space<hbm>> -> memref<160xi32, #tpu.memory_space<hbm>>
    tpu.wait_dma2 semaphore(%arg17 : memref<!tpu.dma_semaphore, #tpu.memory_space<semaphore_mem>>) src(%dma_wait3A_23 : memref<160xi32, #tpu.memory_space<hbm>>) dst(%arg7 : memref<160xi32, #tpu.memory_space<vmem>>)
    %dma_start3A_24 = arith.constant 0 : i32
    %dma_start3A_25 = arith.constant 0 : i32
    %dma_start3A_26 = tpu.memref_slice %arg2[%dma_start3A_24, %dma_start3A_25] : memref<10000x128xf32, #tpu.memory_space<hbm>> -> memref<10000x128xf32, #tpu.memory_space<hbm>>
    tpu.enqueue_indirect_dma source(%dma_start3A_26 : memref<10000x128xf32, #tpu.memory_space<hbm>>) target(%arg8 : memref<160x128xf32, #tpu.memory_space<vmem>>) offsets(%arg6 : memref<160xi32, #tpu.memory_space<vmem>>) semaphore(%arg12 : memref<!tpu.dma_semaphore, #tpu.memory_space<semaphore_mem>>)
    %dma_start3A_27 = arith.constant 0 : i32
    %dma_start3A_28 = arith.constant 0 : i32
    %dma_start3A_29 = tpu.memref_slice %arg2[%dma_start3A_27, %dma_start3A_28] : memref<10000x128xf32, #tpu.memory_space<hbm>> -> memref<10000x128xf32, #tpu.memory_space<hbm>>
    tpu.enqueue_indirect_dma source(%dma_start3A_29 : memref<10000x128xf32, #tpu.memory_space<hbm>>) target(%arg9 : memref<160x128xf32, #tpu.memory_space<vmem>>) offsets(%arg7 : memref<160xi32, #tpu.memory_space<vmem>>) semaphore(%arg13 : memref<!tpu.dma_semaphore, #tpu.memory_space<semaphore_mem>>)
    %dma_wait3A_30 = arith.constant 0 : i32
    %dma_wait3A_31 = tpu.memref_slice %arg2[%min3A_7, %dma_wait3A_30] : memref<10000x128xf32, #tpu.memory_space<hbm>> -> memref<160x128xf32, #tpu.memory_space<hbm>>
    %dma_wait3A_32 = arith.constant 0 : i32
    %dma_wait3A_33 = tpu.memref_slice %arg2[%min3A_7, %dma_wait3A_32] : memref<10000x128xf32, #tpu.memory_space<hbm>> -> memref<160x128xf32, #tpu.memory_space<hbm>>
    tpu.wait_dma2 semaphore(%arg14 : memref<!tpu.dma_semaphore, #tpu.memory_space<semaphore_mem>>) src(%dma_wait3A_33 : memref<160x128xf32, #tpu.memory_space<hbm>>) dst(%arg10 : memref<160x128xf32, #tpu.memory_space<vmem>>)
    %dma_start3A_34 = arith.constant 0 : i32
    %dma_start3A_35 = tpu.memref_slice %arg5[%min3A_7, %dma_start3A_34] : memref<15000x128xf32, #tpu.memory_space<hbm>> -> memref<160x128xf32, #tpu.memory_space<hbm>>
    %dma_start3A_36 = arith.constant 0 : i32
    %dma_start3A_37 = tpu.memref_slice %arg5[%min3A_7, %dma_start3A_36] : memref<15000x128xf32, #tpu.memory_space<hbm>> -> memref<160x128xf32, #tpu.memory_space<hbm>>
    tpu.enqueue_dma source(%arg10 : memref<160x128xf32, #tpu.memory_space<vmem>>) target(%dma_start3A_37 : memref<160x128xf32, #tpu.memory_space<hbm>>) target_semaphore(%arg14 : memref<!tpu.dma_semaphore, #tpu.memory_space<semaphore_mem>>)
    %dma_wait3A_38 = arith.constant 0 : i32
    %dma_wait3A_39 = tpu.memref_slice %arg2[%add3A_16, %dma_wait3A_38] : memref<10000x128xf32, #tpu.memory_space<hbm>> -> memref<160x128xf32, #tpu.memory_space<hbm>>
    %dma_wait3A_40 = arith.constant 0 : i32
    %dma_wait3A_41 = tpu.memref_slice %arg2[%add3A_16, %dma_wait3A_40] : memref<10000x128xf32, #tpu.memory_space<hbm>> -> memref<160x128xf32, #tpu.memory_space<hbm>>
    tpu.wait_dma2 semaphore(%arg15 : memref<!tpu.dma_semaphore, #tpu.memory_space<semaphore_mem>>) src(%dma_wait3A_41 : memref<160x128xf32, #tpu.memory_space<hbm>>) dst(%arg11 : memref<160x128xf32, #tpu.memory_space<vmem>>)
    %add3A_42 = arith.constant 160 : i32
    %add3A_43 = arith.addi %min3A_7, %add3A_42 : i32
    %dma_start3A_44 = arith.constant 0 : i32
    %dma_start3A_45 = tpu.memref_slice %arg5[%add3A_43, %dma_start3A_44] : memref<15000x128xf32, #tpu.memory_space<hbm>> -> memref<160x128xf32, #tpu.memory_space<hbm>>
    %dma_start3A_46 = arith.constant 0 : i32
    %dma_start3A_47 = tpu.memref_slice %arg5[%add3A_43, %dma_start3A_46] : memref<15000x128xf32, #tpu.memory_space<hbm>> -> memref<160x128xf32, #tpu.memory_space<hbm>>
    tpu.enqueue_dma source(%arg11 : memref<160x128xf32, #tpu.memory_space<vmem>>) target(%dma_start3A_47 : memref<160x128xf32, #tpu.memory_space<hbm>>) target_semaphore(%arg15 : memref<!tpu.dma_semaphore, #tpu.memory_space<semaphore_mem>>)
    %dma_wait3A_48 = arith.constant 0 : i32
    %dma_wait3A_49 = arith.constant 0 : i32
    %dma_wait3A_50 = tpu.memref_slice %arg2[%dma_wait3A_48, %dma_wait3A_49] : memref<10000x128xf32, #tpu.memory_space<hbm>> -> memref<10000x128xf32, #tpu.memory_space<hbm>>
    tpu.wait_indirect_dma semaphore(%arg12 : memref<!tpu.dma_semaphore, #tpu.memory_space<semaphore_mem>>) src(%dma_wait3A_50 : memref<10000x128xf32, #tpu.memory_space<hbm>>) dst(%arg8 : memref<160x128xf32, #tpu.memory_space<vmem>>)
    %dma_wait3A_51 = arith.constant 0 : i32
    %dma_wait3A_52 = arith.constant 0 : i32
    %dma_wait3A_53 = tpu.memref_slice %arg2[%dma_wait3A_51, %dma_wait3A_52] : memref<10000x128xf32, #tpu.memory_space<hbm>> -> memref<10000x128xf32, #tpu.memory_space<hbm>>
    tpu.wait_indirect_dma semaphore(%arg13 : memref<!tpu.dma_semaphore, #tpu.memory_space<semaphore_mem>>) src(%dma_wait3A_53 : memref<10000x128xf32, #tpu.memory_space<hbm>>) dst(%arg9 : memref<160x128xf32, #tpu.memory_space<vmem>>)
    %scan3A = arith.constant 0 : i32
    %scan3A_54 = arith.constant 0 : i32
    %scan3A_55 = arith.constant 160 : i32
    %scan3A_56 = arith.addi %scan3A_54, %scan3A_55 : i32
    %scan3A_57 = arith.constant 2 : i32
    scf.for %scan3A_77 = %scan3A_54 to %scan3A_56 step %scan3A_57  : i32 {
      %get3A = arith.index_cast %scan3A_77 : i32 to index
      %get3A_78 = arith.constant 0 : index
      %get3A_79 = tpu.vector_load %arg8[%get3A, %get3A_78] {strides = array<i32>} : memref<160x128xf32, #tpu.memory_space<vmem>>, vector<16xf32>,
      %get3A_80 = arith.index_cast %scan3A_77 : i32 to index
      %get3A_81 = arith.constant 0 : index
      %get3A_82 = tpu.vector_load %arg9[%get3A_80, %get3A_81] {strides = array<i32>} : memref<160x128xf32, #tpu.memory_space<vmem>>, vector<16xf32>,
      %add3A_83 = arith.addf %get3A_79, %get3A_82 : vector<16xf32>
      %mul3A_84 = arith.constant 5.000000e-01 : f32
      %mul3A_85 = vector.broadcast %mul3A_84 : f32 to vector<16xf32>
      %mul3A_86 = arith.mulf %mul3A_85, %add3A_83 : vector<16xf32>
      %swap3A = arith.index_cast %scan3A_77 : i32 to index
      %swap3A_87 = arith.constant 0 : index
      %swap3A_88 = tpu.vector_load %arg8[%swap3A, %swap3A_87] {strides = array<i32>} : memref<160x128xf32, #tpu.memory_space<vmem>>, vector<16xf32>,
      tpu.vector_store %arg8[%swap3A, %swap3A_87], %mul3A_86 {strides = array<i32>} : memref<160x128xf32, #tpu.memory_space<vmem>>, vector<16xf32>,
      %get3A_89 = arith.index_cast %scan3A_77 : i32 to index
      %get3A_90 = arith.constant 16 : index
      %get3A_91 = tpu.vector_load %arg8[%get3A_89, %get3A_90] {strides = array<i32>} : memref<160x128xf32, #tpu.memory_space<vmem>>, vector<16xf32>,
      %get3A_92 = arith.index_cast %scan3A_77 : i32 to index
      %get3A_93 = arith.constant 16 : index
      %get3A_94 = tpu.vector_load %arg9[%get3A_92, %get3A_93] {strides = array<i32>} : memref<160x128xf32, #tpu.memory_space<vmem>>, vector<16xf32>,
      %add3A_95 = arith.addf %get3A_91, %get3A_94 : vector<16xf32>
      %mul3A_96 = arith.constant 5.000000e-01 : f32
      %mul3A_97 = vector.broadcast %mul3A_96 : f32 to vector<16xf32>
      %mul3A_98 = arith.mulf %mul3A_97, %add3A_95 : vector<16xf32>
      %swap3A_99 = arith.index_cast %scan3A_77 : i32 to index
      %swap3A_100 = arith.constant 16 : index
      %swap3A_101 = tpu.vector_load %arg8[%swap3A_99, %swap3A_100] {strides = array<i32>} : memref<160x128xf32, #tpu.memory_space<vmem>>, vector<16xf32>,
      tpu.vector_store %arg8[%swap3A_99, %swap3A_100], %mul3A_98 {strides = array<i32>} : memref<160x128xf32, #tpu.memory_space<vmem>>, vector<16xf32>,
      %get3A_102 = arith.index_cast %scan3A_77 : i32 to index
      %get3A_103 = arith.constant 32 : index
      %get3A_104 = tpu.vector_load %arg8[%get3A_102, %get3A_103] {strides = array<i32>} : memref<160x128xf32, #tpu.memory_space<vmem>>, vector<16xf32>,
      %get3A_105 = arith.index_cast %scan3A_77 : i32 to index
      %get3A_106 = arith.constant 32 : index
      %get3A_107 = tpu.vector_load %arg9[%get3A_105, %get3A_106] {strides = array<i32>} : memref<160x128xf32, #tpu.memory_space<vmem>>, vector<16xf32>,
      %add3A_108 = arith.addf %get3A_104, %get3A_107 : vector<16xf32>
      %mul3A_109 = arith.constant 5.000000e-01 : f32
      %mul3A_110 = vector.broadcast %mul3A_109 : f32 to vector<16xf32>
      %mul3A_111 = arith.mulf %mul3A_110, %add3A_108 : vector<16xf32>
      %swap3A_112 = arith.index_cast %scan3A_77 : i32 to index
      %swap3A_113 = arith.constant 32 : index
      %swap3A_114 = tpu.vector_load %arg8[%swap3A_112, %swap3A_113] {strides = array<i32>} : memref<160x128xf32, #tpu.memory_space<vmem>>, vector<16xf32>,
      tpu.vector_store %arg8[%swap3A_112, %swap3A_113], %mul3A_111 {strides = array<i32>} : memref<160x128xf32, #tpu.memory_space<vmem>>, vector<16xf32>,
      %get3A_115 = arith.index_cast %scan3A_77 : i32 to index
      %get3A_116 = arith.constant 48 : index
      %get3A_117 = tpu.vector_load %arg8[%get3A_115, %get3A_116] {strides = array<i32>} : memref<160x128xf32, #tpu.memory_space<vmem>>, vector<16xf32>,
      %get3A_118 = arith.index_cast %scan3A_77 : i32 to index
      %get3A_119 = arith.constant 48 : index
      %get3A_120 = tpu.vector_load %arg9[%get3A_118, %get3A_119] {strides = array<i32>} : memref<160x128xf32, #tpu.memory_space<vmem>>, vector<16xf32>,
      %add3A_121 = arith.addf %get3A_117, %get3A_120 : vector<16xf32>
      %mul3A_122 = arith.constant 5.000000e-01 : f32
      %mul3A_123 = vector.broadcast %mul3A_122 : f32 to vector<16xf32>
      %mul3A_124 = arith.mulf %mul3A_123, %add3A_121 : vector<16xf32>
      %swap3A_125 = arith.index_cast %scan3A_77 : i32 to index
      %swap3A_126 = arith.constant 48 : index
      %swap3A_127 = tpu.vector_load %arg8[%swap3A_125, %swap3A_126] {strides = array<i32>} : memref<160x128xf32, #tpu.memory_space<vmem>>, vector<16xf32>,
      tpu.vector_store %arg8[%swap3A_125, %swap3A_126], %mul3A_124 {strides = array<i32>} : memref<160x128xf32, #tpu.memory_space<vmem>>, vector<16xf32>,
      %get3A_128 = arith.index_cast %scan3A_77 : i32 to index
      %get3A_129 = arith.constant 64 : index
      %get3A_130 = tpu.vector_load %arg8[%get3A_128, %get3A_129] {strides = array<i32>} : memref<160x128xf32, #tpu.memory_space<vmem>>, vector<16xf32>,
      %get3A_131 = arith.index_cast %scan3A_77 : i32 to index
      %get3A_132 = arith.constant 64 : index
      %get3A_133 = tpu.vector_load %arg9[%get3A_131, %get3A_132] {strides = array<i32>} : memref<160x128xf32, #tpu.memory_space<vmem>>, vector<16xf32>,
      %add3A_134 = arith.addf %get3A_130, %get3A_133 : vector<16xf32>
      %mul3A_135 = arith.constant 5.000000e-01 : f32
      %mul3A_136 = vector.broadcast %mul3A_135 : f32 to vector<16xf32>
      %mul3A_137 = arith.mulf %mul3A_136, %add3A_134 : vector<16xf32>
      %swap3A_138 = arith.index_cast %scan3A_77 : i32 to index
      %swap3A_139 = arith.constant 64 : index
      %swap3A_140 = tpu.vector_load %arg8[%swap3A_138, %swap3A_139] {strides = array<i32>} : memref<160x128xf32, #tpu.memory_space<vmem>>, vector<16xf32>,
      tpu.vector_store %arg8[%swap3A_138, %swap3A_139], %mul3A_137 {strides = array<i32>} : memref<160x128xf32, #tpu.memory_space<vmem>>, vector<16xf32>,
      %get3A_141 = arith.index_cast %scan3A_77 : i32 to index
      %get3A_142 = arith.constant 80 : index
      %get3A_143 = tpu.vector_load %arg8[%get3A_141, %get3A_142] {strides = array<i32>} : memref<160x128xf32, #tpu.memory_space<vmem>>, vector<16xf32>,
      %get3A_144 = arith.index_cast %scan3A_77 : i32 to index
      %get3A_145 = arith.constant 80 : index
      %get3A_146 = tpu.vector_load %arg9[%get3A_144, %get3A_145] {strides = array<i32>} : memref<160x128xf32, #tpu.memory_space<vmem>>, vector<16xf32>,
      %add3A_147 = arith.addf %get3A_143, %get3A_146 : vector<16xf32>
      %mul3A_148 = arith.constant 5.000000e-01 : f32
      %mul3A_149 = vector.broadcast %mul3A_148 : f32 to vector<16xf32>
      %mul3A_150 = arith.mulf %mul3A_149, %add3A_147 : vector<16xf32>
      %swap3A_151 = arith.index_cast %scan3A_77 : i32 to index
      %swap3A_152 = arith.constant 80 : index
      %swap3A_153 = tpu.vector_load %arg8[%swap3A_151, %swap3A_152] {strides = array<i32>} : memref<160x128xf32, #tpu.memory_space<vmem>>, vector<16xf32>,
      tpu.vector_store %arg8[%swap3A_151, %swap3A_152], %mul3A_150 {strides = array<i32>} : memref<160x128xf32, #tpu.memory_space<vmem>>, vector<16xf32>,
      %get3A_154 = arith.index_cast %scan3A_77 : i32 to index
      %get3A_155 = arith.constant 96 : index
      %get3A_156 = tpu.vector_load %arg8[%get3A_154, %get3A_155] {strides = array<i32>} : memref<160x128xf32, #tpu.memory_space<vmem>>, vector<16xf32>,
      %get3A_157 = arith.index_cast %scan3A_77 : i32 to index
      %get3A_158 = arith.constant 96 : index
      %get3A_159 = tpu.vector_load %arg9[%get3A_157, %get3A_158] {strides = array<i32>} : memref<160x128xf32, #tpu.memory_space<vmem>>, vector<16xf32>,
      %add3A_160 = arith.addf %get3A_156, %get3A_159 : vector<16xf32>
      %mul3A_161 = arith.constant 5.000000e-01 : f32
      %mul3A_162 = vector.broadcast %mul3A_161 : f32 to vector<16xf32>
      %mul3A_163 = arith.mulf %mul3A_162, %add3A_160 : vector<16xf32>
      %swap3A_164 = arith.index_cast %scan3A_77 : i32 to index
      %swap3A_165 = arith.constant 96 : index
      %swap3A_166 = tpu.vector_load %arg8[%swap3A_164, %swap3A_165] {strides = array<i32>} : memref<160x128xf32, #tpu.memory_space<vmem>>, vector<16xf32>,
      tpu.vector_store %arg8[%swap3A_164, %swap3A_165], %mul3A_163 {strides = array<i32>} : memref<160x128xf32, #tpu.memory_space<vmem>>, vector<16xf32>,
      %get3A_167 = arith.index_cast %scan3A_77 : i32 to index
      %get3A_168 = arith.constant 112 : index
      %get3A_169 = tpu.vector_load %arg8[%get3A_167, %get3A_168] {strides = array<i32>} : memref<160x128xf32, #tpu.memory_space<vmem>>, vector<16xf32>,
      %get3A_170 = arith.index_cast %scan3A_77 : i32 to index
      %get3A_171 = arith.constant 112 : index
      %get3A_172 = tpu.vector_load %arg9[%get3A_170, %get3A_171] {strides = array<i32>} : memref<160x128xf32, #tpu.memory_space<vmem>>, vector<16xf32>,
      %add3A_173 = arith.addf %get3A_169, %get3A_172 : vector<16xf32>
      %mul3A_174 = arith.constant 5.000000e-01 : f32
      %mul3A_175 = vector.broadcast %mul3A_174 : f32 to vector<16xf32>
      %mul3A_176 = arith.mulf %mul3A_175, %add3A_173 : vector<16xf32>
      %swap3A_177 = arith.index_cast %scan3A_77 : i32 to index
      %swap3A_178 = arith.constant 112 : index
      %swap3A_179 = tpu.vector_load %arg8[%swap3A_177, %swap3A_178] {strides = array<i32>} : memref<160x128xf32, #tpu.memory_space<vmem>>, vector<16xf32>,
      tpu.vector_store %arg8[%swap3A_177, %swap3A_178], %mul3A_176 {strides = array<i32>} : memref<160x128xf32, #tpu.memory_space<vmem>>, vector<16xf32>,
      %scan3A_180 = arith.constant 1 : i32
      %scan3A_181 = arith.addi %scan3A_77, %scan3A_180 : i32
      %get3A_182 = arith.index_cast %scan3A_181 : i32 to index
      %get3A_183 = arith.constant 0 : index
      %get3A_184 = tpu.vector_load %arg8[%get3A_182, %get3A_183] {strides = array<i32>} : memref<160x128xf32, #tpu.memory_space<vmem>>, vector<16xf32>,
      %get3A_185 = arith.index_cast %scan3A_181 : i32 to index
      %get3A_186 = arith.constant 0 : index
      %get3A_187 = tpu.vector_load %arg9[%get3A_185, %get3A_186] {strides = array<i32>} : memref<160x128xf32, #tpu.memory_space<vmem>>, vector<16xf32>,
      %add3A_188 = arith.addf %get3A_184, %get3A_187 : vector<16xf32>
      %mul3A_189 = arith.constant 5.000000e-01 : f32
      %mul3A_190 = vector.broadcast %mul3A_189 : f32 to vector<16xf32>
      %mul3A_191 = arith.mulf %mul3A_190, %add3A_188 : vector<16xf32>
      %swap3A_192 = arith.index_cast %scan3A_181 : i32 to index
      %swap3A_193 = arith.constant 0 : index
      %swap3A_194 = tpu.vector_load %arg8[%swap3A_192, %swap3A_193] {strides = array<i32>} : memref<160x128xf32, #tpu.memory_space<vmem>>, vector<16xf32>,
      tpu.vector_store %arg8[%swap3A_192, %swap3A_193], %mul3A_191 {strides = array<i32>} : memref<160x128xf32, #tpu.memory_space<vmem>>, vector<16xf32>,
      %get3A_195 = arith.index_cast %scan3A_181 : i32 to index
      %get3A_196 = arith.constant 16 : index
      %get3A_197 = tpu.vector_load %arg8[%get3A_195, %get3A_196] {strides = array<i32>} : memref<160x128xf32, #tpu.memory_space<vmem>>, vector<16xf32>,
      %get3A_198 = arith.index_cast %scan3A_181 : i32 to index
      %get3A_199 = arith.constant 16 : index
      %get3A_200 = tpu.vector_load %arg9[%get3A_198, %get3A_199] {strides = array<i32>} : memref<160x128xf32, #tpu.memory_space<vmem>>, vector<16xf32>,
      %add3A_201 = arith.addf %get3A_197, %get3A_200 : vector<16xf32>
      %mul3A_202 = arith.constant 5.000000e-01 : f32
      %mul3A_203 = vector.broadcast %mul3A_202 : f32 to vector<16xf32>
      %mul3A_204 = arith.mulf %mul3A_203, %add3A_201 : vector<16xf32>
      %swap3A_205 = arith.index_cast %scan3A_181 : i32 to index
      %swap3A_206 = arith.constant 16 : index
      %swap3A_207 = tpu.vector_load %arg8[%swap3A_205, %swap3A_206] {strides = array<i32>} : memref<160x128xf32, #tpu.memory_space<vmem>>, vector<16xf32>,
      tpu.vector_store %arg8[%swap3A_205, %swap3A_206], %mul3A_204 {strides = array<i32>} : memref<160x128xf32, #tpu.memory_space<vmem>>, vector<16xf32>,
      %get3A_208 = arith.index_cast %scan3A_181 : i32 to index
      %get3A_209 = arith.constant 32 : index
      %get3A_210 = tpu.vector_load %arg8[%get3A_208, %get3A_209] {strides = array<i32>} : memref<160x128xf32, #tpu.memory_space<vmem>>, vector<16xf32>,
      %get3A_211 = arith.index_cast %scan3A_181 : i32 to index
      %get3A_212 = arith.constant 32 : index
      %get3A_213 = tpu.vector_load %arg9[%get3A_211, %get3A_212] {strides = array<i32>} : memref<160x128xf32, #tpu.memory_space<vmem>>, vector<16xf32>,
      %add3A_214 = arith.addf %get3A_210, %get3A_213 : vector<16xf32>
      %mul3A_215 = arith.constant 5.000000e-01 : f32
      %mul3A_216 = vector.broadcast %mul3A_215 : f32 to vector<16xf32>
      %mul3A_217 = arith.mulf %mul3A_216, %add3A_214 : vector<16xf32>
      %swap3A_218 = arith.index_cast %scan3A_181 : i32 to index
      %swap3A_219 = arith.constant 32 : index
      %swap3A_220 = tpu.vector_load %arg8[%swap3A_218, %swap3A_219] {strides = array<i32>} : memref<160x128xf32, #tpu.memory_space<vmem>>, vector<16xf32>,
      tpu.vector_store %arg8[%swap3A_218, %swap3A_219], %mul3A_217 {strides = array<i32>} : memref<160x128xf32, #tpu.memory_space<vmem>>, vector<16xf32>,
      %get3A_221 = arith.index_cast %scan3A_181 : i32 to index
      %get3A_222 = arith.constant 48 : index
      %get3A_223 = tpu.vector_load %arg8[%get3A_221, %get3A_222] {strides = array<i32>} : memref<160x128xf32, #tpu.memory_space<vmem>>, vector<16xf32>,
      %get3A_224 = arith.index_cast %scan3A_181 : i32 to index
      %get3A_225 = arith.constant 48 : index
      %get3A_226 = tpu.vector_load %arg9[%get3A_224, %get3A_225] {strides = array<i32>} : memref<160x128xf32, #tpu.memory_space<vmem>>, vector<16xf32>,
      %add3A_227 = arith.addf %get3A_223, %get3A_226 : vector<16xf32>
      %mul3A_228 = arith.constant 5.000000e-01 : f32
      %mul3A_229 = vector.broadcast %mul3A_228 : f32 to vector<16xf32>
      %mul3A_230 = arith.mulf %mul3A_229, %add3A_227 : vector<16xf32>
      %swap3A_231 = arith.index_cast %scan3A_181 : i32 to index
      %swap3A_232 = arith.constant 48 : index
      %swap3A_233 = tpu.vector_load %arg8[%swap3A_231, %swap3A_232] {strides = array<i32>} : memref<160x128xf32, #tpu.memory_space<vmem>>, vector<16xf32>,
      tpu.vector_store %arg8[%swap3A_231, %swap3A_232], %mul3A_230 {strides = array<i32>} : memref<160x128xf32, #tpu.memory_space<vmem>>, vector<16xf32>,
      %get3A_234 = arith.index_cast %scan3A_181 : i32 to index
      %get3A_235 = arith.constant 64 : index
      %get3A_236 = tpu.vector_load %arg8[%get3A_234, %get3A_235] {strides = array<i32>} : memref<160x128xf32, #tpu.memory_space<vmem>>, vector<16xf32>,
      %get3A_237 = arith.index_cast %scan3A_181 : i32 to index
      %get3A_238 = arith.constant 64 : index
      %get3A_239 = tpu.vector_load %arg9[%get3A_237, %get3A_238] {strides = array<i32>} : memref<160x128xf32, #tpu.memory_space<vmem>>, vector<16xf32>,
      %add3A_240 = arith.addf %get3A_236, %get3A_239 : vector<16xf32>
      %mul3A_241 = arith.constant 5.000000e-01 : f32
      %mul3A_242 = vector.broadcast %mul3A_241 : f32 to vector<16xf32>
      %mul3A_243 = arith.mulf %mul3A_242, %add3A_240 : vector<16xf32>
      %swap3A_244 = arith.index_cast %scan3A_181 : i32 to index
      %swap3A_245 = arith.constant 64 : index
      %swap3A_246 = tpu.vector_load %arg8[%swap3A_244, %swap3A_245] {strides = array<i32>} : memref<160x128xf32, #tpu.memory_space<vmem>>, vector<16xf32>,
      tpu.vector_store %arg8[%swap3A_244, %swap3A_245], %mul3A_243 {strides = array<i32>} : memref<160x128xf32, #tpu.memory_space<vmem>>, vector<16xf32>,
      %get3A_247 = arith.index_cast %scan3A_181 : i32 to index
      %get3A_248 = arith.constant 80 : index
      %get3A_249 = tpu.vector_load %arg8[%get3A_247, %get3A_248] {strides = array<i32>} : memref<160x128xf32, #tpu.memory_space<vmem>>, vector<16xf32>,
      %get3A_250 = arith.index_cast %scan3A_181 : i32 to index
      %get3A_251 = arith.constant 80 : index
      %get3A_252 = tpu.vector_load %arg9[%get3A_250, %get3A_251] {strides = array<i32>} : memref<160x128xf32, #tpu.memory_space<vmem>>, vector<16xf32>,
      %add3A_253 = arith.addf %get3A_249, %get3A_252 : vector<16xf32>
      %mul3A_254 = arith.constant 5.000000e-01 : f32
      %mul3A_255 = vector.broadcast %mul3A_254 : f32 to vector<16xf32>
      %mul3A_256 = arith.mulf %mul3A_255, %add3A_253 : vector<16xf32>
      %swap3A_257 = arith.index_cast %scan3A_181 : i32 to index
      %swap3A_258 = arith.constant 80 : index
      %swap3A_259 = tpu.vector_load %arg8[%swap3A_257, %swap3A_258] {strides = array<i32>} : memref<160x128xf32, #tpu.memory_space<vmem>>, vector<16xf32>,
      tpu.vector_store %arg8[%swap3A_257, %swap3A_258], %mul3A_256 {strides = array<i32>} : memref<160x128xf32, #tpu.memory_space<vmem>>, vector<16xf32>,
      %get3A_260 = arith.index_cast %scan3A_181 : i32 to index
      %get3A_261 = arith.constant 96 : index
      %get3A_262 = tpu.vector_load %arg8[%get3A_260, %get3A_261] {strides = array<i32>} : memref<160x128xf32, #tpu.memory_space<vmem>>, vector<16xf32>,
      %get3A_263 = arith.index_cast %scan3A_181 : i32 to index
      %get3A_264 = arith.constant 96 : index
      %get3A_265 = tpu.vector_load %arg9[%get3A_263, %get3A_264] {strides = array<i32>} : memref<160x128xf32, #tpu.memory_space<vmem>>, vector<16xf32>,
      %add3A_266 = arith.addf %get3A_262, %get3A_265 : vector<16xf32>
      %mul3A_267 = arith.constant 5.000000e-01 : f32
      %mul3A_268 = vector.broadcast %mul3A_267 : f32 to vector<16xf32>
      %mul3A_269 = arith.mulf %mul3A_268, %add3A_266 : vector<16xf32>
      %swap3A_270 = arith.index_cast %scan3A_181 : i32 to index
      %swap3A_271 = arith.constant 96 : index
      %swap3A_272 = tpu.vector_load %arg8[%swap3A_270, %swap3A_271] {strides = array<i32>} : memref<160x128xf32, #tpu.memory_space<vmem>>, vector<16xf32>,
      tpu.vector_store %arg8[%swap3A_270, %swap3A_271], %mul3A_269 {strides = array<i32>} : memref<160x128xf32, #tpu.memory_space<vmem>>, vector<16xf32>,
      %get3A_273 = arith.index_cast %scan3A_181 : i32 to index
      %get3A_274 = arith.constant 112 : index
      %get3A_275 = tpu.vector_load %arg8[%get3A_273, %get3A_274] {strides = array<i32>} : memref<160x128xf32, #tpu.memory_space<vmem>>, vector<16xf32>,
      %get3A_276 = arith.index_cast %scan3A_181 : i32 to index
      %get3A_277 = arith.constant 112 : index
      %get3A_278 = tpu.vector_load %arg9[%get3A_276, %get3A_277] {strides = array<i32>} : memref<160x128xf32, #tpu.memory_space<vmem>>, vector<16xf32>,
      %add3A_279 = arith.addf %get3A_275, %get3A_278 : vector<16xf32>
      %mul3A_280 = arith.constant 5.000000e-01 : f32
      %mul3A_281 = vector.broadcast %mul3A_280 : f32 to vector<16xf32>
      %mul3A_282 = arith.mulf %mul3A_281, %add3A_279 : vector<16xf32>
      %swap3A_283 = arith.index_cast %scan3A_181 : i32 to index
      %swap3A_284 = arith.constant 112 : index
      %swap3A_285 = tpu.vector_load %arg8[%swap3A_283, %swap3A_284] {strides = array<i32>} : memref<160x128xf32, #tpu.memory_space<vmem>>, vector<16xf32>,
      tpu.vector_store %arg8[%swap3A_283, %swap3A_284], %mul3A_282 {strides = array<i32>} : memref<160x128xf32, #tpu.memory_space<vmem>>, vector<16xf32>,
    }
    %scan3A_58 = arith.constant 160 : i32
    %add3A_59 = arith.constant 10000 : i32
    %add3A_60 = arith.addi %add3A_59, %min3A_3 : i32
    %dma_start3A_61 = arith.constant 0 : i32
    %dma_start3A_62 = tpu.memref_slice %arg5[%add3A_60, %dma_start3A_61] : memref<15000x128xf32, #tpu.memory_space<hbm>> -> memref<160x128xf32, #tpu.memory_space<hbm>>
    %dma_start3A_63 = arith.constant 0 : i32
    %dma_start3A_64 = tpu.memref_slice %arg5[%add3A_60, %dma_start3A_63] : memref<15000x128xf32, #tpu.memory_space<hbm>> -> memref<160x128xf32, #tpu.memory_space<hbm>>
    tpu.enqueue_dma source(%arg8 : memref<160x128xf32, #tpu.memory_space<vmem>>) target(%dma_start3A_64 : memref<160x128xf32, #tpu.memory_space<hbm>>) target_semaphore(%arg18 : memref<!tpu.dma_semaphore, #tpu.memory_space<semaphore_mem>>)
    %dma_wait3A_65 = arith.constant 0 : i32
    %dma_wait3A_66 = tpu.memref_slice %arg5[%min3A_7, %dma_wait3A_65] : memref<15000x128xf32, #tpu.memory_space<hbm>> -> memref<160x128xf32, #tpu.memory_space<hbm>>
    %dma_wait3A_67 = arith.constant 0 : i32
    %dma_wait3A_68 = tpu.memref_slice %arg5[%min3A_7, %dma_wait3A_67] : memref<15000x128xf32, #tpu.memory_space<hbm>> -> memref<160x128xf32, #tpu.memory_space<hbm>>
    tpu.wait_dma2 semaphore(%arg14 : memref<!tpu.dma_semaphore, #tpu.memory_space<semaphore_mem>>) src(%arg10 : memref<160x128xf32, #tpu.memory_space<vmem>>) dst(%dma_wait3A_68 : memref<160x128xf32, #tpu.memory_space<hbm>>)
    %dma_wait3A_69 = arith.constant 0 : i32
    %dma_wait3A_70 = tpu.memref_slice %arg5[%add3A_43, %dma_wait3A_69] : memref<15000x128xf32, #tpu.memory_space<hbm>> -> memref<160x128xf32, #tpu.memory_space<hbm>>
    %dma_wait3A_71 = arith.constant 0 : i32
    %dma_wait3A_72 = tpu.memref_slice %arg5[%add3A_43, %dma_wait3A_71] : memref<15000x128xf32, #tpu.memory_space<hbm>> -> memref<160x128xf32, #tpu.memory_space<hbm>>
    tpu.wait_dma2 semaphore(%arg15 : memref<!tpu.dma_semaphore, #tpu.memory_space<semaphore_mem>>) src(%arg11 : memref<160x128xf32, #tpu.memory_space<vmem>>) dst(%dma_wait3A_72 : memref<160x128xf32, #tpu.memory_space<hbm>>)
    %dma_wait3A_73 = arith.constant 0 : i32
    %dma_wait3A_74 = tpu.memref_slice %arg5[%add3A_60, %dma_wait3A_73] : memref<15000x128xf32, #tpu.memory_space<hbm>> -> memref<160x128xf32, #tpu.memory_space<hbm>>
    %dma_wait3A_75 = arith.constant 0 : i32
    %dma_wait3A_76 = tpu.memref_slice %arg5[%add3A_60, %dma_wait3A_75] : memref<15000x128xf32, #tpu.memory_space<hbm>> -> memref<160x128xf32, #tpu.memory_space<hbm>>
    tpu.wait_dma2 semaphore(%arg18 : memref<!tpu.dma_semaphore, #tpu.memory_space<semaphore_mem>>) src(%arg8 : memref<160x128xf32, #tpu.memory_space<vmem>>) dst(%dma_wait3A_76 : memref<160x128xf32, #tpu.memory_space<hbm>>)
    return
  }
}

module attributes {stable_mosaic.version = 14 : i64} {
  func.func @_edge_body(%arg0: i32, %arg1: memref<64x8x128xi32, #tpu.memory_space<vmem>>, %arg2: memref<2x256x128xi32, #tpu.memory_space<vmem>>, %arg3: memref<2x256x128xi32, #tpu.memory_space<vmem>>) attributes {dimension_semantics = [#tpu.dimension_semantics<arbitrary>], iteration_bounds = array<i64: 10>, scalar_prefetch = 0 : i64, scratch_operands = 0 : i64, tpu.core_type = #tpu.core_type<tc>, window_params = [{transform_indices = @transform_0, window_bounds = array<i64: 64, 8, 128>}, {transform_indices = @transform_1, window_bounds = array<i64: 2, 256, 128>}, {transform_indices = @transform_2, window_bounds = array<i64: 2, 256, 128>}]} {
    %get3A = arith.constant 0 : index
    %get3A_0 = arith.constant 0 : index
    %get3A_1 = arith.constant 0 : index
    %get3A_2 = vector.load %arg1[%get3A, %get3A_0, %get3A_1] : memref<64x8x128xi32, #tpu.memory_space<vmem>>, vector<64x8x128xi32>
    %slice3A = vector.extract_strided_slice %get3A_2 {offsets = [0, 0, 0], sizes = [64, 1, 128], strides = [1, 1, 1]} : vector<64x8x128xi32> to vector<64x1x128xi32>
    %squeeze3A = vector.shape_cast %slice3A : vector<64x1x128xi32> to vector<64x128xi32>
    %slice3A_3 = vector.extract_strided_slice %get3A_2 {offsets = [0, 2, 0], sizes = [64, 1, 128], strides = [1, 1, 1]} : vector<64x8x128xi32> to vector<64x1x128xi32>
    %squeeze3A_4 = vector.shape_cast %slice3A_3 : vector<64x1x128xi32> to vector<64x128xi32>
    %slice3A_5 = vector.extract_strided_slice %get3A_2 {offsets = [0, 4, 0], sizes = [64, 1, 128], strides = [1, 1, 1]} : vector<64x8x128xi32> to vector<64x1x128xi32>
    %squeeze3A_6 = vector.shape_cast %slice3A_5 : vector<64x1x128xi32> to vector<64x128xi32>
    %slice3A_7 = vector.extract_strided_slice %get3A_2 {offsets = [0, 6, 0], sizes = [64, 1, 128], strides = [1, 1, 1]} : vector<64x8x128xi32> to vector<64x1x128xi32>
    %squeeze3A_8 = vector.shape_cast %slice3A_7 : vector<64x1x128xi32> to vector<64x128xi32>
    %stack3A = vector.shape_cast %squeeze3A : vector<64x128xi32> to vector<64x1x128xi32>
    %stack3A_9 = vector.shape_cast %squeeze3A_4 : vector<64x128xi32> to vector<64x1x128xi32>
    %stack3A_10 = vector.shape_cast %squeeze3A_6 : vector<64x128xi32> to vector<64x1x128xi32>
    %stack3A_11 = vector.shape_cast %squeeze3A_8 : vector<64x128xi32> to vector<64x1x128xi32>
    %stack3A_12 = tpu.concatenate %stack3A, %stack3A_9, %stack3A_10, %stack3A_11 in 1 : vector<64x1x128xi32>, vector<64x1x128xi32>, vector<64x1x128xi32>, vector<64x1x128xi32> -> vector<64x4x128xi32>
    %reshape3A = vector.shape_cast %stack3A_12 : vector<64x4x128xi32> to vector<256x128xi32>
    %slice3A_13 = vector.extract_strided_slice %get3A_2 {offsets = [0, 1, 0], sizes = [64, 1, 128], strides = [1, 1, 1]} : vector<64x8x128xi32> to vector<64x1x128xi32>
    %squeeze3A_14 = vector.shape_cast %slice3A_13 : vector<64x1x128xi32> to vector<64x128xi32>
    %slice3A_15 = vector.extract_strided_slice %get3A_2 {offsets = [0, 3, 0], sizes = [64, 1, 128], strides = [1, 1, 1]} : vector<64x8x128xi32> to vector<64x1x128xi32>
    %squeeze3A_16 = vector.shape_cast %slice3A_15 : vector<64x1x128xi32> to vector<64x128xi32>
    %slice3A_17 = vector.extract_strided_slice %get3A_2 {offsets = [0, 5, 0], sizes = [64, 1, 128], strides = [1, 1, 1]} : vector<64x8x128xi32> to vector<64x1x128xi32>
    %squeeze3A_18 = vector.shape_cast %slice3A_17 : vector<64x1x128xi32> to vector<64x128xi32>
    %slice3A_19 = vector.extract_strided_slice %get3A_2 {offsets = [0, 7, 0], sizes = [64, 1, 128], strides = [1, 1, 1]} : vector<64x8x128xi32> to vector<64x1x128xi32>
    %squeeze3A_20 = vector.shape_cast %slice3A_19 : vector<64x1x128xi32> to vector<64x128xi32>
    %stack3A_21 = vector.shape_cast %squeeze3A_14 : vector<64x128xi32> to vector<64x1x128xi32>
    %stack3A_22 = vector.shape_cast %squeeze3A_16 : vector<64x128xi32> to vector<64x1x128xi32>
    %stack3A_23 = vector.shape_cast %squeeze3A_18 : vector<64x128xi32> to vector<64x1x128xi32>
    %stack3A_24 = vector.shape_cast %squeeze3A_20 : vector<64x128xi32> to vector<64x1x128xi32>
    %stack3A_25 = tpu.concatenate %stack3A_21, %stack3A_22, %stack3A_23, %stack3A_24 in 1 : vector<64x1x128xi32>, vector<64x1x128xi32>, vector<64x1x128xi32>, vector<64x1x128xi32> -> vector<64x4x128xi32>
    %reshape3A_26 = vector.shape_cast %stack3A_25 : vector<64x4x128xi32> to vector<256x128xi32>
    %swap3A = arith.constant 0 : index
    %swap3A_27 = arith.constant 0 : index
    %swap3A_28 = arith.constant 0 : index
    %swap3A_29 = vector.load %arg2[%swap3A, %swap3A_27, %swap3A_28] : memref<2x256x128xi32, #tpu.memory_space<vmem>>, vector<1x256x128xi32>
    %swap3A_30 = vector.shape_cast %swap3A_29 : vector<1x256x128xi32> to vector<256x128xi32>
    %swap3A_31 = vector.shape_cast %reshape3A : vector<256x128xi32> to vector<1x256x128xi32>
    tpu.vector_store %arg2[%swap3A, %swap3A_27, %swap3A_28], %swap3A_31 {strides = array<i32>} : memref<2x256x128xi32, #tpu.memory_space<vmem>>, vector<1x256x128xi32>,
    %swap3A_32 = arith.constant 1 : index
    %swap3A_33 = arith.constant 0 : index
    %swap3A_34 = arith.constant 0 : index
    %swap3A_35 = vector.load %arg2[%swap3A_32, %swap3A_33, %swap3A_34] : memref<2x256x128xi32, #tpu.memory_space<vmem>>, vector<1x256x128xi32>
    %swap3A_36 = vector.shape_cast %swap3A_35 : vector<1x256x128xi32> to vector<256x128xi32>
    %swap3A_37 = vector.shape_cast %reshape3A_26 : vector<256x128xi32> to vector<1x256x128xi32>
    tpu.vector_store %arg2[%swap3A_32, %swap3A_33, %swap3A_34], %swap3A_37 {strides = array<i32>} : memref<2x256x128xi32, #tpu.memory_space<vmem>>, vector<1x256x128xi32>,
    %swap3A_38 = arith.constant 0 : index
    %swap3A_39 = arith.constant 0 : index
    %swap3A_40 = arith.constant 0 : index
    %swap3A_41 = vector.load %arg3[%swap3A_38, %swap3A_39, %swap3A_40] : memref<2x256x128xi32, #tpu.memory_space<vmem>>, vector<1x256x128xi32>
    %swap3A_42 = vector.shape_cast %swap3A_41 : vector<1x256x128xi32> to vector<256x128xi32>
    %swap3A_43 = vector.shape_cast %reshape3A_26 : vector<256x128xi32> to vector<1x256x128xi32>
    tpu.vector_store %arg3[%swap3A_38, %swap3A_39, %swap3A_40], %swap3A_43 {strides = array<i32>} : memref<2x256x128xi32, #tpu.memory_space<vmem>>, vector<1x256x128xi32>,
    %swap3A_44 = arith.constant 1 : index
    %swap3A_45 = arith.constant 0 : index
    %swap3A_46 = arith.constant 0 : index
    %swap3A_47 = vector.load %arg3[%swap3A_44, %swap3A_45, %swap3A_46] : memref<2x256x128xi32, #tpu.memory_space<vmem>>, vector<1x256x128xi32>
    %swap3A_48 = vector.shape_cast %swap3A_47 : vector<1x256x128xi32> to vector<256x128xi32>
    %swap3A_49 = vector.shape_cast %reshape3A : vector<256x128xi32> to vector<1x256x128xi32>
    tpu.vector_store %arg3[%swap3A_44, %swap3A_45, %swap3A_46], %swap3A_49 {strides = array<i32>} : memref<2x256x128xi32, #tpu.memory_space<vmem>>, vector<1x256x128xi32>,
    return
  }
  func.func @transform_0(%arg0: i32) -> (i32, i32, i32) {
    %c0_i32 = arith.constant 0 : i32
    %c0_i32_0 = arith.constant 0 : i32
    %c0_i32_1 = arith.constant 0 : i32
    return %arg0, %c0_i32, %c0_i32_0 : i32, i32, i32
  }
  func.func @transform_1(%arg0: i32) -> (i32, i32, i32) {
    %c0_i32 = arith.constant 0 : i32
    %c0_i32_0 = arith.constant 0 : i32
    %c0_i32_1 = arith.constant 0 : i32
    return %c0_i32, %arg0, %c0_i32_0 : i32, i32, i32
  }
  func.func @transform_2(%arg0: i32) -> (i32, i32, i32) {
    %c0_i32 = arith.constant 0 : i32
    %c0_i32_0 = arith.constant 0 : i32
    %c0_i32_1 = arith.constant 0 : i32
    return %c0_i32, %arg0, %c0_i32_0 : i32, i32, i32
  }
}

</mosaic_0001>

<sc_bundles>
// kernel: kernel.4.cloned.1.call-start
scs
__scs_entry_jumppad:
0x0: {  	(pc) =	sbr.rel $0x88, $3  }
0x1: {  	(tag) =	ssettag $0x0;
	lr =	simm.s32 $0x1  }
0x2: {  	[smem:$0x3F9E] =	sst lr;
	_ =	strace $0xD0000000  }
0x3: {  	_ = 	snop  }
0x4: {  	_ = 	snop  }
0x5: {  	_ = 	snop  }
0x6: {  	_ = 	snop  }
0x7: {  	_ = 	snop  }
__scs_overlays_trampoline_lowered:
0x8: {  	[smem:$0x3FAD] =	sst s0  }
0x9: {  	[smem:$0x3FAE] =	sst s1  }
0xa: {  	[smem:$0x3FAF] =	sst s2  }
0xb: {  	[smem:$0x3FB0] =	sst s3  }
0xc: {  	[smem:$0x3FB1] =	sst s4  }
0xd: {  	[smem:$0x3FB2] =	sst s5  }
0xe: {  	[smem:$0x3FB3] =	sst s6  }
0xf: {  	[smem:$0x3FB4] =	sst s7  }
0x10: {  	[smem:$0x3FB5] =	sst s8  }
0x11: {  	[smem:$0x3FB6] =	sst s9;
	s0 =	simm.s32 @!p0 $0x0  }
0x12: {  	s1 =	sld [smem:$0x3F9C];
	s0 =	simm.s32 @p0 $0x1  }
0x13: {  	[smem:$0x3FB7] =	sst s0;
	s0 =	simm.s32 @!p1 $0x0  }
0x14: {  	s2 =	sld [smem:$0x3F9B];
	s0 =	simm.s32 @p1 $0x1  }
0x15: {  	[smem:$0x3FB8] =	sst s0;
	s0 =	simm.s32 @!p2 $0x0  }
0x16: {  	s3 =	sld [smem:$0x3FDB];
	s0 =	simm.s32 @p2 $0x1  }
0x17: {  	s4 =	simm.s32 $0x1BF5;
	[smem:$0x3FBA] =	sst s0  }
0x18: {  	s0 =	sld [smem:$0x3F9D];
	_ =	swait.ge [sflag:s4], $0x0  }
0x19: {  	s7 =	sld [smem:$0x3F9E]  }
0x1a: {  	s8 =	sadd.s32 $0xFFFFE003, lr  }
0x1b: {  	s9 =	sadd.s32 $0xFFFFFEF7, lr;
	s5 =	simm.s32 $0xFFFFFFFF;
	p2 =	slt.u32 s8, $0xFFFFF086  }
0x1c: {  	p1 =	slt.u32 s9, $0xF7A;
	s5 =	simm.s32 @!p2 $0x0  }
0x1d: {  	s5 =	simm.s32 @p1 $0x1;
	p0 =	seq.s32 s7, s2  }
0x1e: {  	s7 =	smul.u32 @!p0 $0xF7A, s2;
	p2 =	seq.s32 @!p0 s5, $0x0  }
0x1f: {  	s9 =	smul.u32 $0xF7A, s1;
	s8 =	simm.s32 @!p0 $0x1BF5;
	p2 =	por !p2, p0  }
0x20: {  	[sflag:s8] =	ssyncset.s32 @!p0 $0xFFFFF086;
	s6 =	sadd.s32 @!p0 s3, s7;
	s7 =	simm.s32 @!p0 $0x108  }
0x21: {  	s3 =	sadd.s32 s3, s9;
	s6 =	sadd.s32 @!p0 $0x88, s6;
	s7 =	simm.s32 @p2 $0x1082  }
0x22: {  	[simem:s7], [sflag:s8] =	dma.local @!p0 [hbm:s6], $0xF7A  }
0x23: {  	s9 =	sor.u32 $0xD0000000, s2;
	s6 =	simm.s32 $0x108;
	_ =	swait.ge @!p0 [sflag:s8], $0x0  }
0x24: {  	s3 =	sadd.s32 $0x88, s3;
	s6 =	simm.s32 @!p1 $0x1082;
	[sflag:s4] =	ssyncset.s32 $0xFFFFF086  }
0x25: {  	[simem:s6], [sflag:s4] =	dma.local [hbm:s3], $0xF7A  }
0x26: {  	[smem:$0x3F9E] =	sst s1;
	(tag) =	ssettag s2;
	_ =	strace s9  }
0x27: {  	s1 =	sld [smem:$0x3FAE]  }
0x28: {  	s2 =	sld [smem:$0x3FAF]  }
0x29: {  	s4 =	sld [smem:$0x3FB1]  }
0x2a: {  	p0 =	seq.s32 s5, $0x0;
	s5 =	sld [smem:$0x3FB2]  }
0x2b: {  	s6 =	sld [smem:$0x3FB3]  }
0x2c: {  	s7 =	sld [smem:$0x3FB4]  }
0x2d: {  	s3 =	simm.s32 $0x108;
	s8 =	sld [smem:$0x3FB5]  }
0x2e: {  	s3 =	simm.s32 @!p0 $0x1082;
	s9 =	sld [smem:$0x3FB6]  }
0x2f: {  	lr =	sadd.s32 s0, s3;
	s0 =	sld [smem:$0x3FAD]  }
0x30: {  	s3 =	sld [smem:$0x3FB0]  }
0x31: {  	[smem:$0x3FB9] =	sst s10  }
0x32: {  	s10 =	sld [smem:$0x3FB7];
	_ =	sdelay $0x3  }
0x33: {  	p0 =	seq.s32 s10, $0x1;
	s10 =	sld [smem:$0x3FB9];
	_ =	sdelay $0x3  }
0x34: {  	[smem:$0x3FB9] =	sst s10  }
0x35: {  	s10 =	sld [smem:$0x3FB8];
	_ =	sdelay $0x3  }
0x36: {  	p1 =	seq.s32 s10, $0x1;
	s10 =	sld [smem:$0x3FB9];
	_ =	sdelay $0x3  }
0x37: {  	[smem:$0x3FB9] =	sst s10  }
0x38: {  	s10 =	sld [smem:$0x3FBA]  }
0x39: {  	_ = 	snop;
	(pc) =	sbr.ind lr, $3  }
0x3a: {  	_ = 	snop  }
0x3b: {  	_ = 	snop  }
0x3c: {  	p2 =	seq.s32 s10, $0x1;
	s10 =	sld [smem:$0x3FB9]  }
0x3d: {  	_ =	shalt  }
0x3e: {  	_ =	shalt  }
0x3f: {  	_ =	shalt  }
0x40: {  	_ =	shalt  }
0x41: {  	_ =	shalt  }
0x42: {  	_ =	shalt  }
0x43: {  	_ =	shalt  }
0x44: {  	_ =	shalt  }
0x45: {  	_ =	shalt  }
0x46: {  	_ =	shalt  }
0x47: {  	_ =	shalt  }
0x48: {  	_ =	shalt  }
0x49: {  	_ =	shalt  }
0x4a: {  	_ =	shalt  }
0x4b: {  	_ =	shalt  }
0x4c: {  	_ =	shalt  }
0x4d: {  	_ =	shalt  }
0x4e: {  	_ =	shalt  }
0x4f: {  	_ =	shalt  }
0x50: {  	_ =	shalt  }
0x51: {  	_ =	shalt  }
0x52: {  	_ =	shalt  }
0x53: {  	_ =	shalt  }
0x54: {  	_ =	shalt  }
0x55: {  	_ =	shalt  }
0x56: {  	_ =	shalt  }
0x57: {  	_ =	shalt  }
0x58: {  	_ =	shalt  }
0x59: {  	_ =	shalt  }
0x5a: {  	_ =	shalt  }
0x5b: {  	_ =	shalt  }
0x5c: {  	_ =	shalt  }
0x5d: {  	_ =	shalt  }
0x5e: {  	_ =	shalt  }
0x5f: {  	_ =	shalt  }
0x60: {  	_ =	shalt  }
0x61: {  	_ =	shalt  }
0x62: {  	_ =	shalt  }
0x63: {  	_ =	shalt  }
0x64: {  	_ =	shalt  }
0x65: {  	_ =	shalt  }
0x66: {  	_ =	shalt  }
0x67: {  	_ =	shalt  }
0x68: {  	_ =	shalt  }
0x69: {  	_ =	shalt  }
0x6a: {  	_ =	shalt  }
0x6b: {  	_ =	shalt  }
0x6c: {  	_ =	shalt  }
0x6d: {  	_ =	shalt  }
0x6e: {  	_ =	shalt  }
0x6f: {  	_ =	shalt  }
0x70: {  	_ =	shalt  }
0x71: {  	_ =	shalt  }
0x72: {  	_ =	shalt  }
0x73: {  	_ =	shalt  }
0x74: {  	_ =	shalt  }
0x75: {  	_ =	shalt  }
0x76: {  	_ =	shalt  }
0x77: {  	_ =	shalt  }
0x78: {  	_ =	shalt  }
0x79: {  	_ =	shalt  }
0x7a: {  	_ =	shalt  }
0x7b: {  	_ =	shalt  }
0x7c: {  	_ =	shalt  }
0x7d: {  	_ =	shalt  }
0x7e: {  	_ =	shalt  }
0x7f: {  	_ =	shalt  }
0x80: {  	_ =	shalt  }
0x81: {  	_ =	shalt  }
0x82: {  	_ =	shalt  }
0x83: {  	_ =	shalt  }
0x84: {  	_ =	shalt  }
0x85: {  	_ =	shalt  }
0x86: {  	_ =	shalt  }
0x87: {  	_ =	shalt  }
.Lfunc_end0:
.L_simem_size_0:
called_computation_lowered:
.L_overlay_start_0:
0x88: {  	s2 =	sld [smem:$0x3FD9]  }
0x89: {  	s3 =	sld [smem:$0x3FFE];
	_ =	sdelay $0x1  }
0x8a: {  	s1 =	srdreg.scid  }
0x8b: {  	s0 =	sand.u32 $0x1, s1  }
0x8c: {  	s14 =	sshll.u32 s0, $0xA;
	s2 =	sadd.s32 s3, s2  }
0x8d: {  	s2 =	sadd.s32 s2, s14  }
0x8e: {  	[smem:$0x3FC5] =	sst s2  }
0x8f: {  	_ = 	snop  }
0x90: {  	s2 =	sld [smem:$0x3FD0];
	_ =	sdelay $0x2  }
0x91: {  	s4 =	simm.s32 $0xA;
	s5 =	simm.s32 $0x10;
	s15 =	sld [smem:$0x3FC9]  }
0x92: {  	[smem:s5], [sflag:s4] =	dma.local [hbm:s2], $0x1  }
0x93: {  	_ =	swait.eq [sflag:s4], $0x1  }
0x94: {  	[sflag:s4] =	ssyncset.done $0x0  }
0x95: {  	[sflag:s4] =	ssyncadd.s32 $0xFFFFFFFF  }
0x96: {  	s16 =	sld [smem:$0x10];
	(tm) =	ssettm $0x1  }
0x97: {  	s17 =	sld [smem:$0x3FFB];
	_ =	sdelay $0x3  }
0x98: {  	_ =	strace s17  }
0x99: {  	s4 =	sld [smem:$0x3FFC];
	_ =	sdelay $0x3  }
0x9a: {  	_ =	strace s4  }
0x9b: {  	s4 =	sld [smem:$0x3FFD];
	_ =	sdelay $0x3  }
0x9c: {  	_ =	strace s4  }
0x9d: {  	_ =	strace $0x8FFFFFFF  }
0x9e: {  	s18 =	sld [smem:$0x3FDB];
	_ =	sdelay $0x1  }
0x9f: {  	s19 =	simm.s32 $_scs_section_size  }
0xa0: {  	s6 =	simm.s32 $_size__tile_overlayer_lowered;
	s7 =	simm.s32 $_tile_overlayer_lowered  }
0xa1: {  	s22 =	simm.s32 $0x1BFF;
	s21 =	sshll.u32 s7, $0x1;
	s4 =	sadd.s32 s19, s18  }
0xa2: {  	s8 =	simm.s32 $0x0;
	s20 =	sshll.u32 s6, $0x1;
	s6 =	sadd.s32 s21, s4  }
0xa3: {  	[timem:s8], [sflag:s22] =	dma.local [hbm:s6], s20  }
0xa4: {  	_ =	swait.ge [sflag:s22], s20  }
0xa5: {  	s5 =	ssub.s32 $0x0, s20;
	[sflag:s22] =	ssyncset.done $0x0  }
0xa6: {  	[sflag:s22] =	ssyncadd.s32 s5;
	_ =	sdelay $0x1  }
0xa7: {  	s23 =	simm.s32 $0x1B8B  }
0xa8: {  	_ =	swait.ge [sflag:s23], $0x1  }
0xa9: {  	[sflag:s23] =	ssyncset.done $0x0  }
0xaa: {  	s25 =	simm.s32 $0x1B8E;
	s24 =	sld [smem:$0x3FFE];
	[sflag:s23] =	ssyncadd.s32 $0xFFFFFFFF  }
0xab: {  	s26 =	simm.s32 $execute0_lowered;
	[smem:$0x3FD2] =	sst s25  }
0xac: {  	s6 =	sshll.u32 s26, $0x1;
	_ =	strace $0x80000046;
	[dreg:$0x1] =	wrdreg $0xFFFFFFFF  }
0xad: {  	s28 =	simm.s32 $_size_execute0_lowered;
	s4 =	sadd.s32 s4, s6;
	[dreg:$0x0] =	wrdreg $0x0  }
0xae: {  	s6 =	sshll.u32 s28, $0x1;
	[dreg:$0x2] =	wrdreg s4  }
0xaf: {  	[dreg:$0x3] =	wrdreg s6  }
0xb0: {  	[dreg:$0x4] =	wrdreg $0xC0  }
0xb1: {  	_ =	task [dreg:s8], $0x5FFFF  }
0xb2: {  	[dreg:$0x1] =	wrdreg $0xFFFFFFFF  }
0xb3: {  	[dreg:$0x0] =	wrdreg $0x60  }
0xb4: {  	[dreg:$0x2] =	wrdreg s15  }
0xb5: {  	[dreg:$0x3] =	wrdreg s24  }
0xb6: {  	[dreg:$0x4] =	wrdreg s16  }
0xb7: {  	[dreg:$0x5] =	wrdreg $0x9  }
0xb8: {  	_ =	task.clear_ibuf [dreg:s8], $0x6FFFF;
	_ =	strace $0x90000046  }
0xb9: {  	s29 =	simm.s32 $0x9;
	_ =	strace $0x80000048  }
0xba: {  	_ =	swait.ge [sflag:s29], $0x1  }
0xbb: {  	[sflag:s29] =	ssyncadd.s32 $0xFFFFFFFF  }
0xbc: {  	_ =	strace $0x90000048  }
0xbd: {  	_ =	sfence  }
0xbe: {  	s30 =	sld [smem:$0x0];
	_ =	sdelay $0x2  }
0xbf: {  	s31 =	sshll.u32 s1, $0xD;
	s1 =	sshrl.u32 s1, $0x2  }
0xc0: {  	s3 =	sand.u32 $0x4000, s31;
	s1 =	sadd.s32 s1, s30  }
0xc1: {  	s0 =	sor.u32 s3, s0;
	s1 =	sshll.u32 s1, $0x11  }
0xc2: {  	s0 =	sor.u32 s1, s0  }
0xc3: {  	s0 =	sadd.s32 $0x8F2B, s0  }
0xc4: {  	[sflag:s0] =	ssyncadd.remote.s32 $0x1  }
0xc5: {  	_ =	sfence.sel $0xFFFF  }
0xc6: {  	[dreg:$0x0] =	wrdreg $0xFFFFFFFF;
	(pc) =	sbr.abs _section_cstart, $3  }
0xc7: {  	[dreg:$0x1] =	wrdreg $0xFFFFFFFF  }
0xc8: {  	_ =	task.clear_ibuf [dreg:s8], $0x2FFFF;
	_ =	strace $0x9FFFFFFF  }
0xc9: {  	(tm) =	ssettm $0x7FFFFFFF  }
tec
execute0_lowered:
.L_overlay_start_1:
0x0: {  	(tag) =	ssettag $0x1  }
0x1: {  	s1 =	rddreg [dreg:$0x0];
	s2 =	srdreg.scid  }
0x2: {  	s0 =	stileid.u32;
	s4 =	rddreg [dreg:$0x1]  }
0x3: {  	s10 =	rddreg [dreg:$0x2];
	s3 =	simm.s32 $0x0;
	s14 =	simm.s32 $0xF140  }
0x4: {  	s15 =	simm.s32 $0x5;
	s16 =	simm.s32 $0x6;
	s17 =	simm.s32 $0x140  }
0x5: {  	s18 =	simm.s32 $0x5140;
	s19 =	simm.s32 $0x3;
	s20 =	simm.s32 $0x4  }
0x6: {  	s21 =	simm.s32 $0x1;
	s5 =	sand.u32 $0x1, s2;
	s30 =	sshll.u32 s0, $0x1  }
0x7: {  	s22 =	simm.s32 $0x2;
	s23 =	simm.s32 $0x7;
	s6 =	sor.u32 s5, s30  }
0x8: {  	s24 =	simm.s32 $0x0;
	s5 =	ssub.s32 $0x2, s5;
	s7 =	smul.u32 $0xA0, s6  }
0x9: {  	[smem:$0x7FF] =	sst s3;
	s6 =	smul.u32 $0x140, s6;
	s9 =	sshrl.u32 s5, $0x1  }
0xa: {  	s2 =	rddreg [dreg:$0x3];
	_ =	strace $0x80000047;
	s11 =	ssub.s32 s5, s9  }
0xb: {  	s8 =	smin.u32 s7, $0x12E8;
	s6 =	smin.u32 s6, $0x25D0;
	s11 =	smax.u32 s11, $0x1  }
0xc: {  	s7 =	sshrl.u32 s8, $0x3;
	s31 =	sshll.u32 s6, $0x4;
	s13 =	sshll.u32 s8, $0x4  }
0xd: {  	s7 =	sadd.s32 s7, s4;
	s12 =	sadd.s32 $0xA00, s31;
	s6 =	sadd.s32 s1, s31  }
0xe: {  	s8 =	sadd.s32 s10, s31;
	s4 =	sadd.s32 $0xE00, s7;
	s5 =	sadd.s32 $0xA00, s7  }
0xf: {  	s7 =	sadd.s32 s1, s12;
	s9 =	sadd.s32 s10, s12;
	s10 =	sadd.s32 s13, s10  }
0x10: {  	s12 =	simm.s32 $0xA0;
	s13 =	simm.s32 $0xA140;
	s10 =	sadd.s32 $0x27100, s10  }
.LBB2_1:
0x11: {  	[tilespmem:s3], [sflag:$0x5] =	stream.linear.gather [hbm4b:s4+s3], $0xA0, $0x38;
	[tilespmem:$0x14140] =	vst v63  }
0x12: {  	_ = 	snop  }
0x13: {  	[tilespmem:s12], [sflag:$0x6] =	stream.linear.gather [hbm4b:s5+s3], $0xA0, $0x38;
	[tilespmem:$0x14140] =	vst v63  }
0x14: {  	_ = 	snop  }
0x15: {  	[tilespmem:s13], [sflag:$0x3] =	stream.linear.gather [hbm4b:s6+s3], $0x5000, $0x38;
	[tilespmem:$0x14140] =	vst v63  }
0x16: {  	_ = 	snop  }
0x17: {  	[tilespmem:s14], [sflag:$0x4] =	stream.linear.gather [hbm4b:s7+s3], $0x5000, $0x38;
	[tilespmem:$0x14140] =	vst v63  }
0x18: {  	_ =	swait.ge [sflag:s15], $0xA0  }
0x19: {  	[sflag:s15] =	ssyncset.done $0x0  }
0x1a: {  	[sflag:s15] =	ssyncadd.s32 $0xFFFFFF60  }
0x1b: {  	_ =	swait.ge [sflag:s16], $0xA0  }
0x1c: {  	[sflag:s16] =	ssyncset.done $0x0  }
0x1d: {  	[sflag:s16] =	ssyncadd.s32 $0xFFFFFF60  }
0x1e: {  	[tilespmem:s17], [sflag:$0x1] =	stream.indirect.gather [hbm4b:s1+s12], $0x80, s3, s12, $0xb8;
	[tilespmem:$0x14140] =	vst v63  }
0x1f: {  	_ = 	snop  }
0x20: {  	[tilespmem:s18], [sflag:$0x2] =	stream.indirect.gather [hbm4b:s1+s12], $0x80, s12, s12, $0xb8;
	[tilespmem:$0x14140] =	vst v63  }
0x21: {  	_ =	swait.ge [sflag:s19], $0x5000  }
0x22: {  	[sflag:s19] =	ssyncset.done $0x0  }
0x23: {  	[sflag:s19] =	ssyncadd.s32 $0xFFFFB000  }
0x24: {  	[hbm4b:s8+s3] =	stream.linear.scatter [tilespmem:s13], [sflag:$0x3], $0x5000, $0x38;
	[tilespmem:$0x14140] =	vst v63  }
0x25: {  	_ =	swait.ge [sflag:s20], $0x5000  }
0x26: {  	[sflag:s20] =	ssyncset.done $0x0  }
0x27: {  	[sflag:s20] =	ssyncadd.s32 $0xFFFFB000  }
0x28: {  	[hbm4b:s9+s3] =	stream.linear.scatter [tilespmem:s14], [sflag:$0x4], $0x5000, $0x38;
	[tilespmem:$0x14140] =	vst v63  }
0x29: {  	_ =	swait.ge [sflag:s21], $0x5000  }
0x2a: {  	[sflag:s21] =	ssyncset.done $0x0  }
0x2b: {  	[sflag:s21] =	ssyncadd.s32 $0xFFFFB000  }
0x2c: {  	_ =	swait.ge [sflag:s22], $0x5000  }
0x2d: {  	[sflag:s22] =	ssyncset.done $0x0  }
0x2e: {  	s25 =	simm.s32 $0x1C0;
	[sflag:s22] =	ssyncadd.s32 $0xFFFFB000  }
0x2f: {  	s26 =	simm.s32 $0x51C0;
	v0 =	vld [tilespmem:s25+$0xFFFFFF80]  }
0x30: {  	v1 =	vld [tilespmem:s26+$0xFFFFFF80];
	_ =	sdelay $0x4  }
0x31: {  	v0 =	vadd.f32 v1, v0;
	_ =	sdelay $0x1  }
0x32: {  	v0 =	vmul.f32 $5.000000000e-01, v0;
	_ =	sdelay $0x1  }
0x33: {  	[tilespmem:s25+$0xFFFFFF80] =	vst v0;
	v0 =	vld [tilespmem:s25+$0xFFFFFF90]  }
0x34: {  	v1 =	vld [tilespmem:s26+$0xFFFFFF90];
	_ =	sdelay $0x4  }
0x35: {  	v0 =	vadd.f32 v1, v0;
	_ =	sdelay $0x1  }
0x36: {  	v0 =	vmul.f32 $5.000000000e-01, v0;
	_ =	sdelay $0x1  }
0x37: {  	[tilespmem:s25+$0xFFFFFF90] =	vst v0;
	v0 =	vld [tilespmem:s25+$0xFFFFFFA0]  }
0x38: {  	v1 =	vld [tilespmem:s26+$0xFFFFFFA0];
	_ =	sdelay $0x4  }
0x39: {  	v0 =	vadd.f32 v1, v0;
	_ =	sdelay $0x1  }
0x3a: {  	v0 =	vmul.f32 $5.000000000e-01, v0;
	_ =	sdelay $0x1  }
0x3b: {  	[tilespmem:s25+$0xFFFFFFA0] =	vst v0;
	v0 =	vld [tilespmem:s25+$0xFFFFFFB0]  }
0x3c: {  	v1 =	vld [tilespmem:s26+$0xFFFFFFB0];
	_ =	sdelay $0x4  }
0x3d: {  	v0 =	vadd.f32 v1, v0;
	_ =	sdelay $0x1  }
0x3e: {  	v0 =	vmul.f32 $5.000000000e-01, v0;
	_ =	sdelay $0x1  }
0x3f: {  	[tilespmem:s25+$0xFFFFFFB0] =	vst v0;
	v0 =	vld [tilespmem:s25+$0xFFFFFFC0]  }
0x40: {  	v1 =	vld [tilespmem:s26+$0xFFFFFFC0];
	_ =	sdelay $0x4  }
0x41: {  	v0 =	vadd.f32 v1, v0;
	_ =	sdelay $0x1  }
0x42: {  	v0 =	vmul.f32 $5.000000000e-01, v0;
	_ =	sdelay $0x1  }
0x43: {  	[tilespmem:s25+$0xFFFFFFC0] =	vst v0;
	v0 =	vld [tilespmem:s25+$0xFFFFFFD0]  }
0x44: {  	v1 =	vld [tilespmem:s26+$0xFFFFFFD0];
	_ =	sdelay $0x4  }
0x45: {  	v0 =	vadd.f32 v1, v0;
	_ =	sdelay $0x1  }
0x46: {  	v0 =	vmul.f32 $5.000000000e-01, v0;
	_ =	sdelay $0x1  }
0x47: {  	[tilespmem:s25+$0xFFFFFFD0] =	vst v0;
	v0 =	vld [tilespmem:s25+$0xFFFFFFE0]  }
0x48: {  	v1 =	vld [tilespmem:s26+$0xFFFFFFE0];
	_ =	sdelay $0x4  }
0x49: {  	v0 =	vadd.f32 v1, v0;
	_ =	sdelay $0x1  }
0x4a: {  	v0 =	vmul.f32 $5.000000000e-01, v0;
	_ =	sdelay $0x1  }
0x4b: {  	[tilespmem:s25+$0xFFFFFFE0] =	vst v0;
	v0 =	vld [tilespmem:s25+$0xFFFFFFF0]  }
0x4c: {  	v1 =	vld [tilespmem:s26+$0xFFFFFFF0];
	_ =	sdelay $0x4  }
0x4d: {  	v0 =	vadd.f32 v1, v0;
	_ =	sdelay $0x1  }
0x4e: {  	v0 =	vmul.f32 $5.000000000e-01, v0;
	_ =	sdelay $0x1  }
0x4f: {  	[tilespmem:s25+$0xFFFFFFF0] =	vst v0;
	v0 =	vld [tilespmem:s25+$0x0]  }
0x50: {  	v1 =	vld [tilespmem:s26+$0x0];
	_ =	sdelay $0x4  }
0x51: {  	v0 =	vadd.f32 v1, v0;
	_ =	sdelay $0x1  }
0x52: {  	v0 =	vmul.f32 $5.000000000e-01, v0;
	_ =	sdelay $0x1  }
0x53: {  	[tilespmem:s25+$0x0] =	vst v0;
	v0 =	vld [tilespmem:s25+$0x10]  }
0x54: {  	v1 =	vld [tilespmem:s26+$0x10];
	_ =	sdelay $0x4  }
0x55: {  	v0 =	vadd.f32 v1, v0;
	_ =	sdelay $0x1  }
0x56: {  	v0 =	vmul.f32 $5.000000000e-01, v0;
	_ =	sdelay $0x1  }
0x57: {  	[tilespmem:s25+$0x10] =	vst v0;
	v0 =	vld [tilespmem:s25+$0x20]  }
0x58: {  	v1 =	vld [tilespmem:s26+$0x20];
	_ =	sdelay $0x4  }
0x59: {  	v0 =	vadd.f32 v1, v0;
	_ =	sdelay $0x1  }
0x5a: {  	v0 =	vmul.f32 $5.000000000e-01, v0;
	_ =	sdelay $0x1  }
0x5b: {  	[tilespmem:s25+$0x20] =	vst v0;
	v0 =	vld [tilespmem:s25+$0x30]  }
0x5c: {  	v1 =	vld [tilespmem:s26+$0x30];
	_ =	sdelay $0x4  }
0x5d: {  	v0 =	vadd.f32 v1, v0;
	_ =	sdelay $0x1  }
0x5e: {  	v0 =	vmul.f32 $5.000000000e-01, v0;
	_ =	sdelay $0x1  }
0x5f: {  	[tilespmem:s25+$0x30] =	vst v0;
	v0 =	vld [tilespmem:s25+$0x40]  }
0x60: {  	v1 =	vld [tilespmem:s26+$0x40];
	_ =	sdelay $0x4  }
0x61: {  	v0 =	vadd.f32 v1, v0;
	_ =	sdelay $0x1  }
0x62: {  	v0 =	vmul.f32 $5.000000000e-01, v0;
	_ =	sdelay $0x1  }
0x63: {  	[tilespmem:s25+$0x40] =	vst v0;
	v0 =	vld [tilespmem:s25+$0x50]  }
0x64: {  	v1 =	vld [tilespmem:s26+$0x50];
	_ =	sdelay $0x4  }
0x65: {  	v0 =	vadd.f32 v1, v0;
	_ =	sdelay $0x1  }
0x66: {  	v0 =	vmul.f32 $5.000000000e-01, v0;
	_ =	sdelay $0x1  }
0x67: {  	[tilespmem:s25+$0x50] =	vst v0;
	v0 =	vld [tilespmem:s25+$0x60]  }
0x68: {  	v1 =	vld [tilespmem:s26+$0x60];
	_ =	sdelay $0x4  }
0x69: {  	v0 =	vadd.f32 v1, v0;
	_ =	sdelay $0x1  }
0x6a: {  	v0 =	vmul.f32 $5.000000000e-01, v0;
	_ =	sdelay $0x1  }
0x6b: {  	[tilespmem:s25+$0x60] =	vst v0;
	v0 =	vld [tilespmem:s25+$0x70]  }
0x6c: {  	v1 =	vld [tilespmem:s26+$0x70];
	_ =	sdelay $0x4  }
0x6d: {  	v0 =	vadd.f32 v1, v0;
	_ =	sdelay $0x1  }
0x6e: {  	v0 =	vmul.f32 $5.000000000e-01, v0  }
0x6f: {  	s28 =	simm.s32 $0x0;
	s29 =	simm.s32 $0x2C0  }
.LBB2_2:
0x70: {  	v1 =	vld [tilespmem:s29+$0xFFFFFF80];
	[tilespmem:s25+$0x70] =	vst v0;
	s26 =	sadd.s32 $0x100, s26;
	s25 =	smov.u32 s29  }
0x71: {  	s28 =	sadd.s32 $0x2, s28;
	v0 =	vld [tilespmem:s26+$0xFFFFFF80]  }
0x72: {  	p0 =	slt.u32 s28, $0x9E;
	_ =	sdelay $0x3  }
0x73: {  	v0 =	vadd.f32 v0, v1;
	_ =	sdelay $0x1  }
0x74: {  	v0 =	vmul.f32 $5.000000000e-01, v0;
	_ =	sdelay $0x1  }
0x75: {  	[tilespmem:s29+$0xFFFFFF80] =	vst v0;
	v0 =	vld [tilespmem:s29+$0xFFFFFF90]  }
0x76: {  	v1 =	vld [tilespmem:s26+$0xFFFFFF90];
	_ =	sdelay $0x4  }
0x77: {  	v0 =	vadd.f32 v1, v0;
	_ =	sdelay $0x1  }
0x78: {  	v0 =	vmul.f32 $5.000000000e-01, v0;
	_ =	sdelay $0x1  }
0x79: {  	[tilespmem:s29+$0xFFFFFF90] =	vst v0;
	v0 =	vld [tilespmem:s29+$0xFFFFFFA0]  }
0x7a: {  	v1 =	vld [tilespmem:s26+$0xFFFFFFA0];
	_ =	sdelay $0x4  }
0x7b: {  	v0 =	vadd.f32 v1, v0;
	_ =	sdelay $0x1  }
0x7c: {  	v0 =	vmul.f32 $5.000000000e-01, v0;
	_ =	sdelay $0x1  }
0x7d: {  	[tilespmem:s29+$0xFFFFFFA0] =	vst v0;
	v0 =	vld [tilespmem:s29+$0xFFFFFFB0]  }
0x7e: {  	v1 =	vld [tilespmem:s26+$0xFFFFFFB0];
	_ =	sdelay $0x4  }
0x7f: {  	v0 =	vadd.f32 v1, v0;
	_ =	sdelay $0x1  }
0x80: {  	v0 =	vmul.f32 $5.000000000e-01, v0;
	_ =	sdelay $0x1  }
0x81: {  	[tilespmem:s29+$0xFFFFFFB0] =	vst v0;
	v0 =	vld [tilespmem:s29+$0xFFFFFFC0]  }
0x82: {  	v1 =	vld [tilespmem:s26+$0xFFFFFFC0];
	_ =	sdelay $0x4  }
0x83: {  	v0 =	vadd.f32 v1, v0;
	_ =	sdelay $0x1  }
0x84: {  	v0 =	vmul.f32 $5.000000000e-01, v0;
	_ =	sdelay $0x1  }
0x85: {  	[tilespmem:s29+$0xFFFFFFC0] =	vst v0;
	v0 =	vld [tilespmem:s29+$0xFFFFFFD0]  }
0x86: {  	v1 =	vld [tilespmem:s26+$0xFFFFFFD0];
	_ =	sdelay $0x4  }
0x87: {  	v0 =	vadd.f32 v1, v0;
	_ =	sdelay $0x1  }
0x88: {  	v0 =	vmul.f32 $5.000000000e-01, v0;
	_ =	sdelay $0x1  }
0x89: {  	[tilespmem:s29+$0xFFFFFFD0] =	vst v0;
	v0 =	vld [tilespmem:s29+$0xFFFFFFE0]  }
0x8a: {  	v1 =	vld [tilespmem:s26+$0xFFFFFFE0];
	_ =	sdelay $0x4  }
0x8b: {  	v0 =	vadd.f32 v1, v0;
	_ =	sdelay $0x1  }
0x8c: {  	v0 =	vmul.f32 $5.000000000e-01, v0;
	_ =	sdelay $0x1  }
0x8d: {  	[tilespmem:s29+$0xFFFFFFE0] =	vst v0;
	v0 =	vld [tilespmem:s29+$0xFFFFFFF0]  }
0x8e: {  	v1 =	vld [tilespmem:s26+$0xFFFFFFF0];
	_ =	sdelay $0x4  }
0x8f: {  	v0 =	vadd.f32 v1, v0;
	_ =	sdelay $0x1  }
0x90: {  	v0 =	vmul.f32 $5.000000000e-01, v0;
	_ =	sdelay $0x1  }
0x91: {  	[tilespmem:s29+$0xFFFFFFF0] =	vst v0;
	v0 =	vld [tilespmem:s29+$0x0]  }
0x92: {  	v1 =	vld [tilespmem:s26+$0x0];
	_ =	sdelay $0x4  }
0x93: {  	v0 =	vadd.f32 v1, v0;
	_ =	sdelay $0x1  }
0x94: {  	v0 =	vmul.f32 $5.000000000e-01, v0;
	_ =	sdelay $0x1  }
0x95: {  	[tilespmem:s29+$0x0] =	vst v0;
	v0 =	vld [tilespmem:s29+$0x10]  }
0x96: {  	v1 =	vld [tilespmem:s26+$0x10];
	_ =	sdelay $0x4  }
0x97: {  	v0 =	vadd.f32 v1, v0;
	_ =	sdelay $0x1  }
0x98: {  	v0 =	vmul.f32 $5.000000000e-01, v0;
	_ =	sdelay $0x1  }
0x99: {  	[tilespmem:s29+$0x10] =	vst v0;
	v0 =	vld [tilespmem:s29+$0x20]  }
0x9a: {  	v1 =	vld [tilespmem:s26+$0x20];
	_ =	sdelay $0x4  }
0x9b: {  	v0 =	vadd.f32 v1, v0;
	_ =	sdelay $0x1  }
0x9c: {  	v0 =	vmul.f32 $5.000000000e-01, v0;
	_ =	sdelay $0x1  }
0x9d: {  	[tilespmem:s29+$0x20] =	vst v0;
	v0 =	vld [tilespmem:s29+$0x30]  }
0x9e: {  	v1 =	vld [tilespmem:s26+$0x30];
	_ =	sdelay $0x4  }
0x9f: {  	v0 =	vadd.f32 v1, v0;
	_ =	sdelay $0x1  }
0xa0: {  	v0 =	vmul.f32 $5.000000000e-01, v0;
	_ =	sdelay $0x1  }
0xa1: {  	[tilespmem:s29+$0x30] =	vst v0;
	v0 =	vld [tilespmem:s29+$0x40]  }
0xa2: {  	v1 =	vld [tilespmem:s26+$0x40];
	_ =	sdelay $0x4  }
0xa3: {  	v0 =	vadd.f32 v1, v0;
	_ =	sdelay $0x1  }
0xa4: {  	v0 =	vmul.f32 $5.000000000e-01, v0;
	_ =	sdelay $0x1  }
0xa5: {  	[tilespmem:s29+$0x40] =	vst v0;
	v0 =	vld [tilespmem:s29+$0x50]  }
0xa6: {  	v1 =	vld [tilespmem:s26+$0x50];
	_ =	sdelay $0x4  }
0xa7: {  	v0 =	vadd.f32 v1, v0;
	_ =	sdelay $0x1  }
0xa8: {  	v0 =	vmul.f32 $5.000000000e-01, v0;
	_ =	sdelay $0x1  }
0xa9: {  	[tilespmem:s29+$0x50] =	vst v0;
	v0 =	vld [tilespmem:s29+$0x60]  }
0xaa: {  	v1 =	vld [tilespmem:s26+$0x60];
	_ =	sdelay $0x4  }
0xab: {  	v0 =	vadd.f32 v1, v0;
	_ =	sdelay $0x1  }
0xac: {  	v0 =	vmul.f32 $5.000000000e-01, v0;
	_ =	sdelay $0x1  }
0xad: {  	[tilespmem:s29+$0x60] =	vst v0;
	v0 =	vld [tilespmem:s29+$0x70]  }
0xae: {  	v1 =	vld [tilespmem:s26+$0x70];
	_ =	sdelay $0x3  }
.Ltmp0:
0xaf: {  	(pc) =	sbr.rel @p0 .LBB2_2-.Ltmp0, $3  }
0xb0: {  	v0 =	vadd.f32 v1, v0;
	_ =	sdelay $0x1  }
0xb1: {  	v0 =	vmul.f32 $5.000000000e-01, v0  }
0xb2: {  	s29 =	sadd.s32 $0x100, s29  }
0xb3: {  	[tilespmem:s25+$0x70] =	vst v0  }
0xb4: {  	[hbm4b:s10+s3] =	stream.linear.scatter [tilespmem:s17], [sflag:$0x7], $0x5000, $0x38;
	[tilespmem:$0x14140] =	vst v63  }
0xb5: {  	_ =	swait.ge [sflag:s19], $0x5000  }
0xb6: {  	[sflag:s19] =	ssyncset.done $0x0  }
0xb7: {  	s24 =	sadd.s32 $0x1, s24;
	[sflag:s19] =	ssyncadd.s32 $0xFFFFB000  }
0xb8: {  	p0 =	sne.s32 s24, s11;
	_ =	swait.ge [sflag:s20], $0x5000  }
.Ltmp1:
0xb9: {  	[sflag:s20] =	ssyncset.done $0x0;
	(pc) =	sbr.rel @p0 .LBB2_1-.Ltmp1, $4  }
0xba: {  	[sflag:s20] =	ssyncadd.s32 $0xFFFFB000  }
0xbb: {  	_ =	swait.ge [sflag:s23], $0x5000  }
0xbc: {  	[sflag:s23] =	ssyncset.done $0x0  }
0xbd: {  	[sflag:s23] =	ssyncadd.s32 $0xFFFFB000  }
0xbe: {  	_ =	sfence.sel $0x180000  }
0xbf: {  	[bflag:$0x0] =	sbarrier.arrive $0xFFFF  }
0xc0: {  	p0 =	sne.s32 s0, $0x0;
	_ =	strace $0x90000047  }
0xc1: {  	s0 =	sadd.s32 @!p0 $0x100000, s2;
	[bflag:$0x2] =	sbarrier.arrive $0xFFFF  }
0xc2: {  	[sflag:s0] =	ssyncadd.tile.s32 @!p0 $0x1;
	_ =	shalt  }
.Lfunc_end2:
_tile_overlayer_lowered:
.L_overlay_start_2:
0xc3: {  	(tag) =	ssettag $0x2  }
0xc4: {  	s0 =	rddreg [dreg:$0x0];
	s2 =	stileid.u32  }
0xc5: {  	s1 =	rddreg [dreg:$0x1];
	p0 =	sne.s32 s2, $0x0  }
0xc6: {  	s3 =	rddreg [dreg:$0x2];
	[bflag:$0x3] =	sbarrier.arrive $0xFFFF;
	s2 =	simm.s32 @!p0 $0x1C08  }
0xc7: {  	[timem:s3], [sflag:s2] =	dma.local @!p0 [hbm:s0], s1  }
0xc8: {  	s0 =	simm.s32 @!p0 $0x8  }
0xc9: {  	_ =	swait.ge @!p0 [sflag:s0], s1  }
0xca: {  	s1 =	ssub.s32 @!p0 $0x0, s1;
	[sflag:s0] =	ssyncset.done @!p0 $0x0  }
0xcb: {  	[sflag:s0] =	ssyncadd.s32 @!p0 s1  }
0xcc: {  	[bflag:$0x3] =	sbarrier.arrive $0xFFFF  }
0xcd: {  	_ =	shalt  }

</sc_bundles>
